<compile_context>
chip_gen: v7x
topology: tpu7x:2x2x1
jax: 0.10.2.dev20260603
libtpu: 0.0.44.dev20260713+nightly
codegen_flags: <defaults>
</compile_context>

<pallas_src>
import functools

import jax
import jax.numpy as jnp
from jax import lax
from jax.experimental import pallas as pl
from jax.experimental.pallas import tpu as pltpu
from jax.experimental.pallas import tpu_sc as plsc

EMBED_DIM = 64

_info = plsc.get_sparse_core_info()
_NC, _NS = _info.num_cores, _info.num_subcores
_NW = _NC * _NS


@functools.partial(jax.jit, static_argnames=("batch", "length"))
def _lookup(idx2d, table, *, batch, length):
    chunk_b = 2
    chunk = chunk_b * length
    per_w_b = batch // _NW
    nchunks = per_w_b // chunk_b
    mesh = plsc.VectorSubcoreMesh(core_axis_name="c", subcore_axis_name="s")

    @functools.partial(
        pl.kernel,
        mesh=mesh,
        out_type=jax.ShapeDtypeStruct((batch, length, EMBED_DIM), jnp.float32),
        scratch_types=[
            pltpu.VMEM((2, chunk_b, length), jnp.int32),
            pltpu.VMEM((2, chunk_b, length, EMBED_DIM), jnp.float32),
            pltpu.VMEM_SHARED((128, EMBED_DIM), jnp.float32),
            pltpu.SemaphoreType.DMA,
            pltpu.SemaphoreType.DMA,
            pltpu.SemaphoreType.DMA,
            pltpu.SemaphoreType.DMA,
            pltpu.SemaphoreType.DMA,
            pltpu.SemaphoreType.DMA,
        ],
        compiler_params=pltpu.CompilerParams(use_tc_tiling_on_sc=False),
    )
    def k(idx_hbm, table_hbm, out_hbm, idx_v, rows_v, table_sh,
          isem0, isem1, gsem0, gsem1, wsem0, wsem1):
        sid = lax.axis_index("s")
        wid = sid * _NC + lax.axis_index("c")
        b_base = wid * per_w_b
        isems = (isem0, isem1)
        gsems = (gsem0, gsem1)
        wsems = (wsem0, wsem1)

        @pl.when(sid == 0)
        def _stage_table():
            pltpu.sync_copy(table_hbm, table_sh)

        plsc.subcore_barrier()

        for par in range(2):
            pltpu.async_copy(
                idx_hbm.at[pl.ds(b_base + par * chunk_b, chunk_b)],
                idx_v.at[par],
                isems[par],
            )

        def super_chunk(c2, _):
            for par in range(2):
                c = 2 * c2 + par
                pltpu.make_async_copy(
                    idx_hbm.at[pl.ds(b_base, chunk_b)], idx_v.at[par],
                    isems[par],
                ).wait()
                @pl.when(c2 > 0)
                def _drain():
                    pltpu.make_async_copy(
                        rows_v.at[par], out_hbm.at[pl.ds(b_base, chunk_b)],
                        wsems[par],
                    ).wait()

                handles = [
                    pltpu.async_copy(
                        table_sh.at[idx_v.at[par, cb]],
                        rows_v.at[par, cb],
                        gsems[par],
                    )
                    for cb in range(chunk_b)
                ]
                for h in handles:
                    h.wait()

                @pl.when(c < nchunks - 2)
                def _prefetch():
                    pltpu.async_copy(
                        idx_hbm.at[pl.ds(b_base + (c + 2) * chunk_b, chunk_b)],
                        idx_v.at[par],
                        isems[par],
                    )

                pltpu.async_copy(
                    rows_v.at[par],
                    out_hbm.at[pl.ds(b_base + c * chunk_b, chunk_b)],
                    wsems[par],
                )
            return ()

        lax.fori_loop(0, nchunks // 2, super_chunk, ())

        for par in range(2):
            pltpu.make_async_copy(
                rows_v.at[par], out_hbm.at[pl.ds(b_base, chunk_b)], wsems[par]
            ).wait()

    return k(idx2d, table)


def kernel(indices, table):
    B, L = indices.shape
    return _lookup(indices.astype(jnp.int32), table, batch=B, length=L)

# --- scband reference (transcript-rebuilt; emitter-appended) ---
"""Pipeline reference for scband-char-encoding-19748259627069 (READ-ONLY COPY).

The authoritative reference and input builder live on the scoring server;
editing this copy changes nothing except your own understanding.
"""

import jax, jax.numpy as jnp
import numpy as np

VOCAB = 128
EMBED_DIM = 64
B = 16384
L = 200

def setup_inputs(seed: int = 0) -> dict:
    key = jax.random.key(seed)
    k_idx, k_tab = jax.random.split(key)
    indices = jax.random.randint(k_idx, (B, L), 0, VOCAB, dtype=jnp.int64) if jax.config.jax_enable_x64 else jax.random.randint(k_idx, (B, L), 0, VOCAB, dtype=jnp.int32)
    table = jax.random.normal(k_tab, (VOCAB, EMBED_DIM), dtype=jnp.float32)
    return {"indices": indices, "table": table}

def reference(indices, table):
    # Faithful to nn.Embedding(128, embedding_dim) lookup: out = table[indices]
    return jnp.take(table, indices, axis=0)

if __name__ == "__main__":
    import jax
    _d = setup_inputs()
    print(jax.jit(kernel)(*tuple(_d.values())))

</pallas_src>

<mosaic_0001>
#map = affine_map<(d0, d1) -> (0, 0)>
#map1 = affine_map<(d0, d1) -> (0, 0, 0)>
module attributes {stable_mosaic.version = 14 : i64} {
  func.func @k(%arg0: i32, %arg1: i32, %arg2: memref<16384x200xi32, #tpu.memory_space<hbm>>, %arg3: memref<128x64xf32, #tpu.memory_space<hbm>>, %arg4: memref<16384x200x64xf32, #tpu.memory_space<hbm>>, %arg5: memref<2x2x200xi32, #tpu.memory_space<vmem>>, %arg6: memref<2x2x200x64xf32, #tpu.memory_space<vmem>>, %arg7: memref<128x64xf32, #tpu.memory_space<vmem_shared>>, %arg8: memref<!tpu.dma_semaphore, #tpu.memory_space<semaphore_mem>>, %arg9: memref<!tpu.dma_semaphore, #tpu.memory_space<semaphore_mem>>, %arg10: memref<!tpu.dma_semaphore, #tpu.memory_space<semaphore_mem>>, %arg11: memref<!tpu.dma_semaphore, #tpu.memory_space<semaphore_mem>>, %arg12: memref<!tpu.dma_semaphore, #tpu.memory_space<semaphore_mem>>, %arg13: memref<!tpu.dma_semaphore, #tpu.memory_space<semaphore_mem>>) attributes {dimension_semantics = [#tpu.dimension_semantics<core_parallel>, #tpu.dimension_semantics<subcore_parallel>], iteration_bounds = array<i64: 2, 16>, scalar_prefetch = 0 : i64, scratch_operands = 9 : i64, tpu.core_type = #tpu.core_type<sc_vector_subcore>, window_params = [{transform_indices = #map}, {transform_indices = #map}, {transform_indices = #map1}]} {
    %mul3A = arith.constant 2 : i32
    %mul3A_0 = arith.muli %arg1, %mul3A : i32
    %add3A = arith.addi %mul3A_0, %arg0 : i32
    %mul3A_1 = arith.constant 512 : i32
    %mul3A_2 = arith.muli %add3A, %mul3A_1 : i32
    %eq3A = arith.constant 0 : i32
    %eq3A_3 = arith.cmpi eq, %arg1, %eq3A : i32
    %convert_element_type3A = arith.extui %eq3A_3 : i1 to i32
    %cond3A = arith.constant 0 : i32
    %cond3A_4 = arith.cmpi ne, %convert_element_type3A, %cond3A : i32
    scf.if %cond3A_4 {
      "tpu.region"() ({
        %run_scoped3A = tpu.sem_alloc : memref<!tpu.dma_semaphore, #tpu.memory_space<semaphore_mem>>
        tpu.enqueue_dma source(%arg3 : memref<128x64xf32, #tpu.memory_space<hbm>>) target(%arg7 : memref<128x64xf32, #tpu.memory_space<vmem_shared>>) target_semaphore(%run_scoped3A : memref<!tpu.dma_semaphore, #tpu.memory_space<semaphore_mem>>)
        tpu.wait_dma2 semaphore(%run_scoped3A : memref<!tpu.dma_semaphore, #tpu.memory_space<semaphore_mem>>) src(%arg3 : memref<128x64xf32, #tpu.memory_space<hbm>>) dst(%arg7 : memref<128x64xf32, #tpu.memory_space<vmem_shared>>)
        tpu.yield
      }) : () -> ()
    } else {
    }
    %barrier3A = arith.constant 0 : index
    tpu.barrier barrier_id(%barrier3A)
    %add3A_5 = arith.constant 0 : i32
    %add3A_6 = arith.addi %mul3A_2, %add3A_5 : i32
    %dma_start3A = arith.constant 0 : i32
    %dma_start3A_7 = arith.constant 0 : i32
    %dma_start3A_8 = arith.constant 0 : i32
    %dma_start3A_9 = tpu.memref_slice %arg5[%dma_start3A, %dma_start3A_7, %dma_start3A_8] : memref<2x2x200xi32, #tpu.memory_space<vmem>> -> memref<1x2x200xi32, #tpu.memory_space<vmem>>
    %dma_start3A_10 = tpu.memref_squeeze %dma_start3A_9 : memref<1x2x200xi32, #tpu.memory_space<vmem>> -> memref<2x200xi32, #tpu.memory_space<vmem>>
    %dma_start3A_11 = arith.constant 0 : i32
    %dma_start3A_12 = tpu.memref_slice %arg2[%add3A_6, %dma_start3A_11] : memref<16384x200xi32, #tpu.memory_space<hbm>> -> memref<2x200xi32, #tpu.memory_space<hbm>>
    %dma_start3A_13 = arith.constant 0 : i32
    %dma_start3A_14 = arith.constant 0 : i32
    %dma_start3A_15 = tpu.memref_slice %arg5[%dma_start3A, %dma_start3A_13, %dma_start3A_14] : memref<2x2x200xi32, #tpu.memory_space<vmem>> -> memref<1x2x200xi32, #tpu.memory_space<vmem>>
    %dma_start3A_16 = tpu.memref_squeeze %dma_start3A_15 : memref<1x2x200xi32, #tpu.memory_space<vmem>> -> memref<2x200xi32, #tpu.memory_space<vmem>>
    %dma_start3A_17 = arith.constant 0 : i32
    %dma_start3A_18 = tpu.memref_slice %arg2[%add3A_6, %dma_start3A_17] : memref<16384x200xi32, #tpu.memory_space<hbm>> -> memref<2x200xi32, #tpu.memory_space<hbm>>
    tpu.enqueue_dma source(%dma_start3A_18 : memref<2x200xi32, #tpu.memory_space<hbm>>) target(%dma_start3A_16 : memref<2x200xi32, #tpu.memory_space<vmem>>) target_semaphore(%arg8 : memref<!tpu.dma_semaphore, #tpu.memory_space<semaphore_mem>>)
    %add3A_19 = arith.constant 2 : i32
    %add3A_20 = arith.addi %mul3A_2, %add3A_19 : i32
    %dma_start3A_21 = arith.constant 1 : i32
    %dma_start3A_22 = arith.constant 0 : i32
    %dma_start3A_23 = arith.constant 0 : i32
    %dma_start3A_24 = tpu.memref_slice %arg5[%dma_start3A_21, %dma_start3A_22, %dma_start3A_23] : memref<2x2x200xi32, #tpu.memory_space<vmem>> -> memref<1x2x200xi32, #tpu.memory_space<vmem>>
    %dma_start3A_25 = tpu.memref_squeeze %dma_start3A_24 : memref<1x2x200xi32, #tpu.memory_space<vmem>> -> memref<2x200xi32, #tpu.memory_space<vmem>>
    %dma_start3A_26 = arith.constant 0 : i32
    %dma_start3A_27 = tpu.memref_slice %arg2[%add3A_20, %dma_start3A_26] : memref<16384x200xi32, #tpu.memory_space<hbm>> -> memref<2x200xi32, #tpu.memory_space<hbm>>
    %dma_start3A_28 = arith.constant 0 : i32
    %dma_start3A_29 = arith.constant 0 : i32
    %dma_start3A_30 = tpu.memref_slice %arg5[%dma_start3A_21, %dma_start3A_28, %dma_start3A_29] : memref<2x2x200xi32, #tpu.memory_space<vmem>> -> memref<1x2x200xi32, #tpu.memory_space<vmem>>
    %dma_start3A_31 = tpu.memref_squeeze %dma_start3A_30 : memref<1x2x200xi32, #tpu.memory_space<vmem>> -> memref<2x200xi32, #tpu.memory_space<vmem>>
    %dma_start3A_32 = arith.constant 0 : i32
    %dma_start3A_33 = tpu.memref_slice %arg2[%add3A_20, %dma_start3A_32] : memref<16384x200xi32, #tpu.memory_space<hbm>> -> memref<2x200xi32, #tpu.memory_space<hbm>>
    tpu.enqueue_dma source(%dma_start3A_33 : memref<2x200xi32, #tpu.memory_space<hbm>>) target(%dma_start3A_31 : memref<2x200xi32, #tpu.memory_space<vmem>>) target_semaphore(%arg9 : memref<!tpu.dma_semaphore, #tpu.memory_space<semaphore_mem>>)
    %scan3A = arith.constant 0 : i32
    %scan3A_34 = arith.constant 128 : i32
    %scan3A_35 = arith.addi %scan3A, %scan3A_34 : i32
    %scan3A_36 = arith.constant 1 : i32
    scf.for %scan3A_71 = %scan3A to %scan3A_35 step %scan3A_36  : i32 {
      %mul3A_72 = arith.constant 2 : i32
      %mul3A_73 = arith.muli %mul3A_72, %scan3A_71 : i32
      %add3A_74 = arith.constant 0 : i32
      %add3A_75 = arith.addi %mul3A_73, %add3A_74 : i32
      %dma_wait3A_76 = arith.constant 0 : i32
      %dma_wait3A_77 = arith.constant 0 : i32
      %dma_wait3A_78 = arith.constant 0 : i32
      %dma_wait3A_79 = tpu.memref_slice %arg5[%dma_wait3A_76, %dma_wait3A_77, %dma_wait3A_78] : memref<2x2x200xi32, #tpu.memory_space<vmem>> -> memref<1x2x200xi32, #tpu.memory_space<vmem>>
      %dma_wait3A_80 = tpu.memref_squeeze %dma_wait3A_79 : memref<1x2x200xi32, #tpu.memory_space<vmem>> -> memref<2x200xi32, #tpu.memory_space<vmem>>
      %dma_wait3A_81 = arith.constant 0 : i32
      %dma_wait3A_82 = tpu.memref_slice %arg2[%mul3A_2, %dma_wait3A_81] : memref<16384x200xi32, #tpu.memory_space<hbm>> -> memref<2x200xi32, #tpu.memory_space<hbm>>
      %dma_wait3A_83 = arith.constant 0 : i32
      %dma_wait3A_84 = arith.constant 0 : i32
      %dma_wait3A_85 = tpu.memref_slice %arg5[%dma_wait3A_76, %dma_wait3A_83, %dma_wait3A_84] : memref<2x2x200xi32, #tpu.memory_space<vmem>> -> memref<1x2x200xi32, #tpu.memory_space<vmem>>
      %dma_wait3A_86 = tpu.memref_squeeze %dma_wait3A_85 : memref<1x2x200xi32, #tpu.memory_space<vmem>> -> memref<2x200xi32, #tpu.memory_space<vmem>>
      %dma_wait3A_87 = arith.constant 0 : i32
      %dma_wait3A_88 = tpu.memref_slice %arg2[%mul3A_2, %dma_wait3A_87] : memref<16384x200xi32, #tpu.memory_space<hbm>> -> memref<2x200xi32, #tpu.memory_space<hbm>>
      tpu.wait_dma2 semaphore(%arg8 : memref<!tpu.dma_semaphore, #tpu.memory_space<semaphore_mem>>) src(%dma_wait3A_88 : memref<2x200xi32, #tpu.memory_space<hbm>>) dst(%dma_wait3A_86 : memref<2x200xi32, #tpu.memory_space<vmem>>)
      %gt3A = arith.constant 0 : i32
      %gt3A_89 = arith.cmpi sgt, %scan3A_71, %gt3A : i32
      %convert_element_type3A_90 = arith.extui %gt3A_89 : i1 to i32
      %cond3A_91 = arith.constant 0 : i32
      %cond3A_92 = arith.cmpi ne, %convert_element_type3A_90, %cond3A_91 : i32
      scf.if %cond3A_92 {
        %dma_wait3A_276 = arith.constant 0 : i32
        %dma_wait3A_277 = arith.constant 0 : i32
        %dma_wait3A_278 = arith.constant 0 : i32
        %dma_wait3A_279 = arith.constant 0 : i32
        %dma_wait3A_280 = tpu.memref_slice %arg6[%dma_wait3A_276, %dma_wait3A_277, %dma_wait3A_278, %dma_wait3A_279] : memref<2x2x200x64xf32, #tpu.memory_space<vmem>> -> memref<1x2x200x64xf32, #tpu.memory_space<vmem>>
        %dma_wait3A_281 = tpu.memref_squeeze %dma_wait3A_280 : memref<1x2x200x64xf32, #tpu.memory_space<vmem>> -> memref<2x200x64xf32, #tpu.memory_space<vmem>>
        %dma_wait3A_282 = arith.constant 0 : i32
        %dma_wait3A_283 = arith.constant 0 : i32
        %dma_wait3A_284 = tpu.memref_slice %arg4[%mul3A_2, %dma_wait3A_282, %dma_wait3A_283] : memref<16384x200x64xf32, #tpu.memory_space<hbm>> -> memref<2x200x64xf32, #tpu.memory_space<hbm>>
        %dma_wait3A_285 = arith.constant 0 : i32
        %dma_wait3A_286 = arith.constant 0 : i32
        %dma_wait3A_287 = tpu.memref_slice %arg4[%mul3A_2, %dma_wait3A_285, %dma_wait3A_286] : memref<16384x200x64xf32, #tpu.memory_space<hbm>> -> memref<2x200x64xf32, #tpu.memory_space<hbm>>
        %dma_wait3A_288 = arith.constant 0 : i32
        %dma_wait3A_289 = arith.constant 0 : i32
        %dma_wait3A_290 = arith.constant 0 : i32
        %dma_wait3A_291 = tpu.memref_slice %arg6[%dma_wait3A_276, %dma_wait3A_288, %dma_wait3A_289, %dma_wait3A_290] : memref<2x2x200x64xf32, #tpu.memory_space<vmem>> -> memref<1x2x200x64xf32, #tpu.memory_space<vmem>>
        %dma_wait3A_292 = tpu.memref_squeeze %dma_wait3A_291 : memref<1x2x200x64xf32, #tpu.memory_space<vmem>> -> memref<2x200x64xf32, #tpu.memory_space<vmem>>
        tpu.wait_dma2 semaphore(%arg12 : memref<!tpu.dma_semaphore, #tpu.memory_space<semaphore_mem>>) src(%dma_wait3A_292 : memref<2x200x64xf32, #tpu.memory_space<vmem>>) dst(%dma_wait3A_287 : memref<2x200x64xf32, #tpu.memory_space<hbm>>)
      } else {
      }
      %dma_start3A_93 = arith.constant 0 : i32
      %dma_start3A_94 = arith.constant 0 : i32
      %dma_start3A_95 = arith.constant 0 : i32
      %dma_start3A_96 = arith.constant 0 : i32
      %dma_start3A_97 = arith.constant 0 : i32
      %dma_start3A_98 = arith.constant 0 : i32
      %dma_start3A_99 = tpu.memref_slice %arg6[%dma_start3A_95, %dma_start3A_96, %dma_start3A_97, %dma_start3A_98] : memref<2x2x200x64xf32, #tpu.memory_space<vmem>> -> memref<1x1x200x64xf32, #tpu.memory_space<vmem>>
      %dma_start3A_100 = tpu.memref_squeeze %dma_start3A_99 : memref<1x1x200x64xf32, #tpu.memory_space<vmem>> -> memref<200x64xf32, #tpu.memory_space<vmem>>
      %dma_start3A_101 = arith.constant 0 : i32
      %dma_start3A_102 = tpu.memref_slice %arg5[%dma_start3A_93, %dma_start3A_94, %dma_start3A_101] : memref<2x2x200xi32, #tpu.memory_space<vmem>> -> memref<1x1x200xi32, #tpu.memory_space<vmem>>
      %dma_start3A_103 = tpu.memref_squeeze %dma_start3A_102 : memref<1x1x200xi32, #tpu.memory_space<vmem>> -> memref<200xi32, #tpu.memory_space<vmem>>
      %dma_start3A_104 = arith.constant 0 : i32
      %dma_start3A_105 = arith.constant 0 : i32
      %dma_start3A_106 = tpu.memref_slice %arg7[%dma_start3A_104, %dma_start3A_105] : memref<128x64xf32, #tpu.memory_space<vmem_shared>> -> memref<128x64xf32, #tpu.memory_space<vmem_shared>>
      tpu.enqueue_indirect_dma source(%dma_start3A_106 : memref<128x64xf32, #tpu.memory_space<vmem_shared>>) target(%dma_start3A_100 : memref<200x64xf32, #tpu.memory_space<vmem>>) offsets(%dma_start3A_103 : memref<200xi32, #tpu.memory_space<vmem>>) semaphore(%arg10 : memref<!tpu.dma_semaphore, #tpu.memory_space<semaphore_mem>>)
      %dma_start3A_107 = arith.constant 0 : i32
      %dma_start3A_108 = arith.constant 1 : i32
      %dma_start3A_109 = arith.constant 0 : i32
      %dma_start3A_110 = arith.constant 1 : i32
      %dma_start3A_111 = arith.constant 0 : i32
      %dma_start3A_112 = arith.constant 0 : i32
      %dma_start3A_113 = tpu.memref_slice %arg6[%dma_start3A_109, %dma_start3A_110, %dma_start3A_111, %dma_start3A_112] : memref<2x2x200x64xf32, #tpu.memory_space<vmem>> -> memref<1x1x200x64xf32, #tpu.memory_space<vmem>>
      %dma_start3A_114 = tpu.memref_squeeze %dma_start3A_113 : memref<1x1x200x64xf32, #tpu.memory_space<vmem>> -> memref<200x64xf32, #tpu.memory_space<vmem>>
      %dma_start3A_115 = arith.constant 0 : i32
      %dma_start3A_116 = tpu.memref_slice %arg5[%dma_start3A_107, %dma_start3A_108, %dma_start3A_115] : memref<2x2x200xi32, #tpu.memory_space<vmem>> -> memref<1x1x200xi32, #tpu.memory_space<vmem>>
      %dma_start3A_117 = tpu.memref_squeeze %dma_start3A_116 : memref<1x1x200xi32, #tpu.memory_space<vmem>> -> memref<200xi32, #tpu.memory_space<vmem>>
      %dma_start3A_118 = arith.constant 0 : i32
      %dma_start3A_119 = arith.constant 0 : i32
      %dma_start3A_120 = tpu.memref_slice %arg7[%dma_start3A_118, %dma_start3A_119] : memref<128x64xf32, #tpu.memory_space<vmem_shared>> -> memref<128x64xf32, #tpu.memory_space<vmem_shared>>
      tpu.enqueue_indirect_dma source(%dma_start3A_120 : memref<128x64xf32, #tpu.memory_space<vmem_shared>>) target(%dma_start3A_114 : memref<200x64xf32, #tpu.memory_space<vmem>>) offsets(%dma_start3A_117 : memref<200xi32, #tpu.memory_space<vmem>>) semaphore(%arg10 : memref<!tpu.dma_semaphore, #tpu.memory_space<semaphore_mem>>)
      %dma_wait3A_121 = arith.constant 0 : i32
      %dma_wait3A_122 = arith.constant 0 : i32
      %dma_wait3A_123 = arith.constant 0 : i32
      %dma_wait3A_124 = arith.constant 0 : i32
      %dma_wait3A_125 = arith.constant 0 : i32
      %dma_wait3A_126 = arith.constant 0 : i32
      %dma_wait3A_127 = tpu.memref_slice %arg6[%dma_wait3A_123, %dma_wait3A_124, %dma_wait3A_125, %dma_wait3A_126] : memref<2x2x200x64xf32, #tpu.memory_space<vmem>> -> memref<1x1x200x64xf32, #tpu.memory_space<vmem>>
      %dma_wait3A_128 = tpu.memref_squeeze %dma_wait3A_127 : memref<1x1x200x64xf32, #tpu.memory_space<vmem>> -> memref<200x64xf32, #tpu.memory_space<vmem>>
      %dma_wait3A_129 = arith.constant 0 : i32
      %dma_wait3A_130 = tpu.memref_slice %arg5[%dma_wait3A_121, %dma_wait3A_122, %dma_wait3A_129] : memref<2x2x200xi32, #tpu.memory_space<vmem>> -> memref<1x1x200xi32, #tpu.memory_space<vmem>>
      %dma_wait3A_131 = tpu.memref_squeeze %dma_wait3A_130 : memref<1x1x200xi32, #tpu.memory_space<vmem>> -> memref<200xi32, #tpu.memory_space<vmem>>
      %dma_wait3A_132 = arith.constant 0 : i32
      %dma_wait3A_133 = arith.constant 0 : i32
      %dma_wait3A_134 = tpu.memref_slice %arg7[%dma_wait3A_132, %dma_wait3A_133] : memref<128x64xf32, #tpu.memory_space<vmem_shared>> -> memref<128x64xf32, #tpu.memory_space<vmem_shared>>
      tpu.wait_indirect_dma semaphore(%arg10 : memref<!tpu.dma_semaphore, #tpu.memory_space<semaphore_mem>>) src(%dma_wait3A_134 : memref<128x64xf32, #tpu.memory_space<vmem_shared>>) dst(%dma_wait3A_128 : memref<200x64xf32, #tpu.memory_space<vmem>>)
      %dma_wait3A_135 = arith.constant 0 : i32
      %dma_wait3A_136 = arith.constant 1 : i32
      %dma_wait3A_137 = arith.constant 0 : i32
      %dma_wait3A_138 = arith.constant 1 : i32
      %dma_wait3A_139 = arith.constant 0 : i32
      %dma_wait3A_140 = arith.constant 0 : i32
      %dma_wait3A_141 = tpu.memref_slice %arg6[%dma_wait3A_137, %dma_wait3A_138, %dma_wait3A_139, %dma_wait3A_140] : memref<2x2x200x64xf32, #tpu.memory_space<vmem>> -> memref<1x1x200x64xf32, #tpu.memory_space<vmem>>
      %dma_wait3A_142 = tpu.memref_squeeze %dma_wait3A_141 : memref<1x1x200x64xf32, #tpu.memory_space<vmem>> -> memref<200x64xf32, #tpu.memory_space<vmem>>
      %dma_wait3A_143 = arith.constant 0 : i32
      %dma_wait3A_144 = tpu.memref_slice %arg5[%dma_wait3A_135, %dma_wait3A_136, %dma_wait3A_143] : memref<2x2x200xi32, #tpu.memory_space<vmem>> -> memref<1x1x200xi32, #tpu.memory_space<vmem>>
      %dma_wait3A_145 = tpu.memref_squeeze %dma_wait3A_144 : memref<1x1x200xi32, #tpu.memory_space<vmem>> -> memref<200xi32, #tpu.memory_space<vmem>>
      %dma_wait3A_146 = arith.constant 0 : i32
      %dma_wait3A_147 = arith.constant 0 : i32
      %dma_wait3A_148 = tpu.memref_slice %arg7[%dma_wait3A_146, %dma_wait3A_147] : memref<128x64xf32, #tpu.memory_space<vmem_shared>> -> memref<128x64xf32, #tpu.memory_space<vmem_shared>>
      tpu.wait_indirect_dma semaphore(%arg10 : memref<!tpu.dma_semaphore, #tpu.memory_space<semaphore_mem>>) src(%dma_wait3A_148 : memref<128x64xf32, #tpu.memory_space<vmem_shared>>) dst(%dma_wait3A_142 : memref<200x64xf32, #tpu.memory_space<vmem>>)
      %lt3A = arith.constant 254 : i32
      %lt3A_149 = arith.cmpi slt, %add3A_75, %lt3A : i32
      %convert_element_type3A_150 = arith.extui %lt3A_149 : i1 to i32
      %cond3A_151 = arith.constant 0 : i32
      %cond3A_152 = arith.cmpi ne, %convert_element_type3A_150, %cond3A_151 : i32
      scf.if %cond3A_152 {
        %add3A_276 = arith.constant 2 : i32
        %add3A_277 = arith.addi %add3A_75, %add3A_276 : i32
        %mul3A_278 = arith.constant 2 : i32
        %mul3A_279 = arith.muli %add3A_277, %mul3A_278 : i32
        %add3A_280 = arith.addi %mul3A_2, %mul3A_279 : i32
        %dma_start3A_281 = arith.constant 0 : i32
        %dma_start3A_282 = arith.constant 0 : i32
        %dma_start3A_283 = arith.constant 0 : i32
        %dma_start3A_284 = tpu.memref_slice %arg5[%dma_start3A_281, %dma_start3A_282, %dma_start3A_283] : memref<2x2x200xi32, #tpu.memory_space<vmem>> -> memref<1x2x200xi32, #tpu.memory_space<vmem>>
        %dma_start3A_285 = tpu.memref_squeeze %dma_start3A_284 : memref<1x2x200xi32, #tpu.memory_space<vmem>> -> memref<2x200xi32, #tpu.memory_space<vmem>>
        %dma_start3A_286 = arith.constant 0 : i32
        %dma_start3A_287 = tpu.memref_slice %arg2[%add3A_280, %dma_start3A_286] : memref<16384x200xi32, #tpu.memory_space<hbm>> -> memref<2x200xi32, #tpu.memory_space<hbm>>
        %dma_start3A_288 = arith.constant 0 : i32
        %dma_start3A_289 = arith.constant 0 : i32
        %dma_start3A_290 = tpu.memref_slice %arg5[%dma_start3A_281, %dma_start3A_288, %dma_start3A_289] : memref<2x2x200xi32, #tpu.memory_space<vmem>> -> memref<1x2x200xi32, #tpu.memory_space<vmem>>
        %dma_start3A_291 = tpu.memref_squeeze %dma_start3A_290 : memref<1x2x200xi32, #tpu.memory_space<vmem>> -> memref<2x200xi32, #tpu.memory_space<vmem>>
        %dma_start3A_292 = arith.constant 0 : i32
        %dma_start3A_293 = tpu.memref_slice %arg2[%add3A_280, %dma_start3A_292] : memref<16384x200xi32, #tpu.memory_space<hbm>> -> memref<2x200xi32, #tpu.memory_space<hbm>>
        tpu.enqueue_dma source(%dma_start3A_293 : memref<2x200xi32, #tpu.memory_space<hbm>>) target(%dma_start3A_291 : memref<2x200xi32, #tpu.memory_space<vmem>>) target_semaphore(%arg8 : memref<!tpu.dma_semaphore, #tpu.memory_space<semaphore_mem>>)
      } else {
      }
      %mul3A_153 = arith.constant 2 : i32
      %mul3A_154 = arith.muli %add3A_75, %mul3A_153 : i32
      %add3A_155 = arith.addi %mul3A_2, %mul3A_154 : i32
      %dma_start3A_156 = arith.constant 0 : i32
      %dma_start3A_157 = arith.constant 0 : i32
      %dma_start3A_158 = arith.constant 0 : i32
      %dma_start3A_159 = arith.constant 0 : i32
      %dma_start3A_160 = tpu.memref_slice %arg6[%dma_start3A_156, %dma_start3A_157, %dma_start3A_158, %dma_start3A_159] : memref<2x2x200x64xf32, #tpu.memory_space<vmem>> -> memref<1x2x200x64xf32, #tpu.memory_space<vmem>>
      %dma_start3A_161 = tpu.memref_squeeze %dma_start3A_160 : memref<1x2x200x64xf32, #tpu.memory_space<vmem>> -> memref<2x200x64xf32, #tpu.memory_space<vmem>>
      %dma_start3A_162 = arith.constant 0 : i32
      %dma_start3A_163 = arith.constant 0 : i32
      %dma_start3A_164 = tpu.memref_slice %arg4[%add3A_155, %dma_start3A_162, %dma_start3A_163] : memref<16384x200x64xf32, #tpu.memory_space<hbm>> -> memref<2x200x64xf32, #tpu.memory_space<hbm>>
      %dma_start3A_165 = arith.constant 0 : i32
      %dma_start3A_166 = arith.constant 0 : i32
      %dma_start3A_167 = tpu.memref_slice %arg4[%add3A_155, %dma_start3A_165, %dma_start3A_166] : memref<16384x200x64xf32, #tpu.memory_space<hbm>> -> memref<2x200x64xf32, #tpu.memory_space<hbm>>
      %dma_start3A_168 = arith.constant 0 : i32
      %dma_start3A_169 = arith.constant 0 : i32
      %dma_start3A_170 = arith.constant 0 : i32
      %dma_start3A_171 = tpu.memref_slice %arg6[%dma_start3A_156, %dma_start3A_168, %dma_start3A_169, %dma_start3A_170] : memref<2x2x200x64xf32, #tpu.memory_space<vmem>> -> memref<1x2x200x64xf32, #tpu.memory_space<vmem>>
      %dma_start3A_172 = tpu.memref_squeeze %dma_start3A_171 : memref<1x2x200x64xf32, #tpu.memory_space<vmem>> -> memref<2x200x64xf32, #tpu.memory_space<vmem>>
      tpu.enqueue_dma source(%dma_start3A_172 : memref<2x200x64xf32, #tpu.memory_space<vmem>>) target(%dma_start3A_167 : memref<2x200x64xf32, #tpu.memory_space<hbm>>) target_semaphore(%arg12 : memref<!tpu.dma_semaphore, #tpu.memory_space<semaphore_mem>>)
      %mul3A_173 = arith.constant 2 : i32
      %mul3A_174 = arith.muli %mul3A_173, %scan3A_71 : i32
      %add3A_175 = arith.constant 1 : i32
      %add3A_176 = arith.addi %mul3A_174, %add3A_175 : i32
      %dma_wait3A_177 = arith.constant 1 : i32
      %dma_wait3A_178 = arith.constant 0 : i32
      %dma_wait3A_179 = arith.constant 0 : i32
      %dma_wait3A_180 = tpu.memref_slice %arg5[%dma_wait3A_177, %dma_wait3A_178, %dma_wait3A_179] : memref<2x2x200xi32, #tpu.memory_space<vmem>> -> memref<1x2x200xi32, #tpu.memory_space<vmem>>
      %dma_wait3A_181 = tpu.memref_squeeze %dma_wait3A_180 : memref<1x2x200xi32, #tpu.memory_space<vmem>> -> memref<2x200xi32, #tpu.memory_space<vmem>>
      %dma_wait3A_182 = arith.constant 0 : i32
      %dma_wait3A_183 = tpu.memref_slice %arg2[%mul3A_2, %dma_wait3A_182] : memref<16384x200xi32, #tpu.memory_space<hbm>> -> memref<2x200xi32, #tpu.memory_space<hbm>>
      %dma_wait3A_184 = arith.constant 0 : i32
      %dma_wait3A_185 = arith.constant 0 : i32
      %dma_wait3A_186 = tpu.memref_slice %arg5[%dma_wait3A_177, %dma_wait3A_184, %dma_wait3A_185] : memref<2x2x200xi32, #tpu.memory_space<vmem>> -> memref<1x2x200xi32, #tpu.memory_space<vmem>>
      %dma_wait3A_187 = tpu.memref_squeeze %dma_wait3A_186 : memref<1x2x200xi32, #tpu.memory_space<vmem>> -> memref<2x200xi32, #tpu.memory_space<vmem>>
      %dma_wait3A_188 = arith.constant 0 : i32
      %dma_wait3A_189 = tpu.memref_slice %arg2[%mul3A_2, %dma_wait3A_188] : memref<16384x200xi32, #tpu.memory_space<hbm>> -> memref<2x200xi32, #tpu.memory_space<hbm>>
      tpu.wait_dma2 semaphore(%arg9 : memref<!tpu.dma_semaphore, #tpu.memory_space<semaphore_mem>>) src(%dma_wait3A_189 : memref<2x200xi32, #tpu.memory_space<hbm>>) dst(%dma_wait3A_187 : memref<2x200xi32, #tpu.memory_space<vmem>>)
      %gt3A_190 = arith.constant 0 : i32
      %gt3A_191 = arith.cmpi sgt, %scan3A_71, %gt3A_190 : i32
      %convert_element_type3A_192 = arith.extui %gt3A_191 : i1 to i32
      %cond3A_193 = arith.constant 0 : i32
      %cond3A_194 = arith.cmpi ne, %convert_element_type3A_192, %cond3A_193 : i32
      scf.if %cond3A_194 {
        %dma_wait3A_276 = arith.constant 1 : i32
        %dma_wait3A_277 = arith.constant 0 : i32
        %dma_wait3A_278 = arith.constant 0 : i32
        %dma_wait3A_279 = arith.constant 0 : i32
        %dma_wait3A_280 = tpu.memref_slice %arg6[%dma_wait3A_276, %dma_wait3A_277, %dma_wait3A_278, %dma_wait3A_279] : memref<2x2x200x64xf32, #tpu.memory_space<vmem>> -> memref<1x2x200x64xf32, #tpu.memory_space<vmem>>
        %dma_wait3A_281 = tpu.memref_squeeze %dma_wait3A_280 : memref<1x2x200x64xf32, #tpu.memory_space<vmem>> -> memref<2x200x64xf32, #tpu.memory_space<vmem>>
        %dma_wait3A_282 = arith.constant 0 : i32
        %dma_wait3A_283 = arith.constant 0 : i32
        %dma_wait3A_284 = tpu.memref_slice %arg4[%mul3A_2, %dma_wait3A_282, %dma_wait3A_283] : memref<16384x200x64xf32, #tpu.memory_space<hbm>> -> memref<2x200x64xf32, #tpu.memory_space<hbm>>
        %dma_wait3A_285 = arith.constant 0 : i32
        %dma_wait3A_286 = arith.constant 0 : i32
        %dma_wait3A_287 = tpu.memref_slice %arg4[%mul3A_2, %dma_wait3A_285, %dma_wait3A_286] : memref<16384x200x64xf32, #tpu.memory_space<hbm>> -> memref<2x200x64xf32, #tpu.memory_space<hbm>>
        %dma_wait3A_288 = arith.constant 0 : i32
        %dma_wait3A_289 = arith.constant 0 : i32
        %dma_wait3A_290 = arith.constant 0 : i32
        %dma_wait3A_291 = tpu.memref_slice %arg6[%dma_wait3A_276, %dma_wait3A_288, %dma_wait3A_289, %dma_wait3A_290] : memref<2x2x200x64xf32, #tpu.memory_space<vmem>> -> memref<1x2x200x64xf32, #tpu.memory_space<vmem>>
        %dma_wait3A_292 = tpu.memref_squeeze %dma_wait3A_291 : memref<1x2x200x64xf32, #tpu.memory_space<vmem>> -> memref<2x200x64xf32, #tpu.memory_space<vmem>>
        tpu.wait_dma2 semaphore(%arg13 : memref<!tpu.dma_semaphore, #tpu.memory_space<semaphore_mem>>) src(%dma_wait3A_292 : memref<2x200x64xf32, #tpu.memory_space<vmem>>) dst(%dma_wait3A_287 : memref<2x200x64xf32, #tpu.memory_space<hbm>>)
      } else {
      }
      %dma_start3A_195 = arith.constant 1 : i32
      %dma_start3A_196 = arith.constant 0 : i32
      %dma_start3A_197 = arith.constant 1 : i32
      %dma_start3A_198 = arith.constant 0 : i32
      %dma_start3A_199 = arith.constant 0 : i32
      %dma_start3A_200 = arith.constant 0 : i32
      %dma_start3A_201 = tpu.memref_slice %arg6[%dma_start3A_197, %dma_start3A_198, %dma_start3A_199, %dma_start3A_200] : memref<2x2x200x64xf32, #tpu.memory_space<vmem>> -> memref<1x1x200x64xf32, #tpu.memory_space<vmem>>
      %dma_start3A_202 = tpu.memref_squeeze %dma_start3A_201 : memref<1x1x200x64xf32, #tpu.memory_space<vmem>> -> memref<200x64xf32, #tpu.memory_space<vmem>>
      %dma_start3A_203 = arith.constant 0 : i32
      %dma_start3A_204 = tpu.memref_slice %arg5[%dma_start3A_195, %dma_start3A_196, %dma_start3A_203] : memref<2x2x200xi32, #tpu.memory_space<vmem>> -> memref<1x1x200xi32, #tpu.memory_space<vmem>>
      %dma_start3A_205 = tpu.memref_squeeze %dma_start3A_204 : memref<1x1x200xi32, #tpu.memory_space<vmem>> -> memref<200xi32, #tpu.memory_space<vmem>>
      %dma_start3A_206 = arith.constant 0 : i32
      %dma_start3A_207 = arith.constant 0 : i32
      %dma_start3A_208 = tpu.memref_slice %arg7[%dma_start3A_206, %dma_start3A_207] : memref<128x64xf32, #tpu.memory_space<vmem_shared>> -> memref<128x64xf32, #tpu.memory_space<vmem_shared>>
      tpu.enqueue_indirect_dma source(%dma_start3A_208 : memref<128x64xf32, #tpu.memory_space<vmem_shared>>) target(%dma_start3A_202 : memref<200x64xf32, #tpu.memory_space<vmem>>) offsets(%dma_start3A_205 : memref<200xi32, #tpu.memory_space<vmem>>) semaphore(%arg11 : memref<!tpu.dma_semaphore, #tpu.memory_space<semaphore_mem>>)
      %dma_start3A_209 = arith.constant 1 : i32
      %dma_start3A_210 = arith.constant 1 : i32
      %dma_start3A_211 = arith.constant 1 : i32
      %dma_start3A_212 = arith.constant 1 : i32
      %dma_start3A_213 = arith.constant 0 : i32
      %dma_start3A_214 = arith.constant 0 : i32
      %dma_start3A_215 = tpu.memref_slice %arg6[%dma_start3A_211, %dma_start3A_212, %dma_start3A_213, %dma_start3A_214] : memref<2x2x200x64xf32, #tpu.memory_space<vmem>> -> memref<1x1x200x64xf32, #tpu.memory_space<vmem>>
      %dma_start3A_216 = tpu.memref_squeeze %dma_start3A_215 : memref<1x1x200x64xf32, #tpu.memory_space<vmem>> -> memref<200x64xf32, #tpu.memory_space<vmem>>
      %dma_start3A_217 = arith.constant 0 : i32
      %dma_start3A_218 = tpu.memref_slice %arg5[%dma_start3A_209, %dma_start3A_210, %dma_start3A_217] : memref<2x2x200xi32, #tpu.memory_space<vmem>> -> memref<1x1x200xi32, #tpu.memory_space<vmem>>
      %dma_start3A_219 = tpu.memref_squeeze %dma_start3A_218 : memref<1x1x200xi32, #tpu.memory_space<vmem>> -> memref<200xi32, #tpu.memory_space<vmem>>
      %dma_start3A_220 = arith.constant 0 : i32
      %dma_start3A_221 = arith.constant 0 : i32
      %dma_start3A_222 = tpu.memref_slice %arg7[%dma_start3A_220, %dma_start3A_221] : memref<128x64xf32, #tpu.memory_space<vmem_shared>> -> memref<128x64xf32, #tpu.memory_space<vmem_shared>>
      tpu.enqueue_indirect_dma source(%dma_start3A_222 : memref<128x64xf32, #tpu.memory_space<vmem_shared>>) target(%dma_start3A_216 : memref<200x64xf32, #tpu.memory_space<vmem>>) offsets(%dma_start3A_219 : memref<200xi32, #tpu.memory_space<vmem>>) semaphore(%arg11 : memref<!tpu.dma_semaphore, #tpu.memory_space<semaphore_mem>>)
      %dma_wait3A_223 = arith.constant 1 : i32
      %dma_wait3A_224 = arith.constant 0 : i32
      %dma_wait3A_225 = arith.constant 1 : i32
      %dma_wait3A_226 = arith.constant 0 : i32
      %dma_wait3A_227 = arith.constant 0 : i32
      %dma_wait3A_228 = arith.constant 0 : i32
      %dma_wait3A_229 = tpu.memref_slice %arg6[%dma_wait3A_225, %dma_wait3A_226, %dma_wait3A_227, %dma_wait3A_228] : memref<2x2x200x64xf32, #tpu.memory_space<vmem>> -> memref<1x1x200x64xf32, #tpu.memory_space<vmem>>
      %dma_wait3A_230 = tpu.memref_squeeze %dma_wait3A_229 : memref<1x1x200x64xf32, #tpu.memory_space<vmem>> -> memref<200x64xf32, #tpu.memory_space<vmem>>
      %dma_wait3A_231 = arith.constant 0 : i32
      %dma_wait3A_232 = tpu.memref_slice %arg5[%dma_wait3A_223, %dma_wait3A_224, %dma_wait3A_231] : memref<2x2x200xi32, #tpu.memory_space<vmem>> -> memref<1x1x200xi32, #tpu.memory_space<vmem>>
      %dma_wait3A_233 = tpu.memref_squeeze %dma_wait3A_232 : memref<1x1x200xi32, #tpu.memory_space<vmem>> -> memref<200xi32, #tpu.memory_space<vmem>>
      %dma_wait3A_234 = arith.constant 0 : i32
      %dma_wait3A_235 = arith.constant 0 : i32
      %dma_wait3A_236 = tpu.memref_slice %arg7[%dma_wait3A_234, %dma_wait3A_235] : memref<128x64xf32, #tpu.memory_space<vmem_shared>> -> memref<128x64xf32, #tpu.memory_space<vmem_shared>>
      tpu.wait_indirect_dma semaphore(%arg11 : memref<!tpu.dma_semaphore, #tpu.memory_space<semaphore_mem>>) src(%dma_wait3A_236 : memref<128x64xf32, #tpu.memory_space<vmem_shared>>) dst(%dma_wait3A_230 : memref<200x64xf32, #tpu.memory_space<vmem>>)
      %dma_wait3A_237 = arith.constant 1 : i32
      %dma_wait3A_238 = arith.constant 1 : i32
      %dma_wait3A_239 = arith.constant 1 : i32
      %dma_wait3A_240 = arith.constant 1 : i32
      %dma_wait3A_241 = arith.constant 0 : i32
      %dma_wait3A_242 = arith.constant 0 : i32
      %dma_wait3A_243 = tpu.memref_slice %arg6[%dma_wait3A_239, %dma_wait3A_240, %dma_wait3A_241, %dma_wait3A_242] : memref<2x2x200x64xf32, #tpu.memory_space<vmem>> -> memref<1x1x200x64xf32, #tpu.memory_space<vmem>>
      %dma_wait3A_244 = tpu.memref_squeeze %dma_wait3A_243 : memref<1x1x200x64xf32, #tpu.memory_space<vmem>> -> memref<200x64xf32, #tpu.memory_space<vmem>>
      %dma_wait3A_245 = arith.constant 0 : i32
      %dma_wait3A_246 = tpu.memref_slice %arg5[%dma_wait3A_237, %dma_wait3A_238, %dma_wait3A_245] : memref<2x2x200xi32, #tpu.memory_space<vmem>> -> memref<1x1x200xi32, #tpu.memory_space<vmem>>
      %dma_wait3A_247 = tpu.memref_squeeze %dma_wait3A_246 : memref<1x1x200xi32, #tpu.memory_space<vmem>> -> memref<200xi32, #tpu.memory_space<vmem>>
      %dma_wait3A_248 = arith.constant 0 : i32
      %dma_wait3A_249 = arith.constant 0 : i32
      %dma_wait3A_250 = tpu.memref_slice %arg7[%dma_wait3A_248, %dma_wait3A_249] : memref<128x64xf32, #tpu.memory_space<vmem_shared>> -> memref<128x64xf32, #tpu.memory_space<vmem_shared>>
      tpu.wait_indirect_dma semaphore(%arg11 : memref<!tpu.dma_semaphore, #tpu.memory_space<semaphore_mem>>) src(%dma_wait3A_250 : memref<128x64xf32, #tpu.memory_space<vmem_shared>>) dst(%dma_wait3A_244 : memref<200x64xf32, #tpu.memory_space<vmem>>)
      %lt3A_251 = arith.constant 254 : i32
      %lt3A_252 = arith.cmpi slt, %add3A_176, %lt3A_251 : i32
      %convert_element_type3A_253 = arith.extui %lt3A_252 : i1 to i32
      %cond3A_254 = arith.constant 0 : i32
      %cond3A_255 = arith.cmpi ne, %convert_element_type3A_253, %cond3A_254 : i32
      scf.if %cond3A_255 {
        %add3A_276 = arith.constant 2 : i32
        %add3A_277 = arith.addi %add3A_176, %add3A_276 : i32
        %mul3A_278 = arith.constant 2 : i32
        %mul3A_279 = arith.muli %add3A_277, %mul3A_278 : i32
        %add3A_280 = arith.addi %mul3A_2, %mul3A_279 : i32
        %dma_start3A_281 = arith.constant 1 : i32
        %dma_start3A_282 = arith.constant 0 : i32
        %dma_start3A_283 = arith.constant 0 : i32
        %dma_start3A_284 = tpu.memref_slice %arg5[%dma_start3A_281, %dma_start3A_282, %dma_start3A_283] : memref<2x2x200xi32, #tpu.memory_space<vmem>> -> memref<1x2x200xi32, #tpu.memory_space<vmem>>
        %dma_start3A_285 = tpu.memref_squeeze %dma_start3A_284 : memref<1x2x200xi32, #tpu.memory_space<vmem>> -> memref<2x200xi32, #tpu.memory_space<vmem>>
        %dma_start3A_286 = arith.constant 0 : i32
        %dma_start3A_287 = tpu.memref_slice %arg2[%add3A_280, %dma_start3A_286] : memref<16384x200xi32, #tpu.memory_space<hbm>> -> memref<2x200xi32, #tpu.memory_space<hbm>>
        %dma_start3A_288 = arith.constant 0 : i32
        %dma_start3A_289 = arith.constant 0 : i32
        %dma_start3A_290 = tpu.memref_slice %arg5[%dma_start3A_281, %dma_start3A_288, %dma_start3A_289] : memref<2x2x200xi32, #tpu.memory_space<vmem>> -> memref<1x2x200xi32, #tpu.memory_space<vmem>>
        %dma_start3A_291 = tpu.memref_squeeze %dma_start3A_290 : memref<1x2x200xi32, #tpu.memory_space<vmem>> -> memref<2x200xi32, #tpu.memory_space<vmem>>
        %dma_start3A_292 = arith.constant 0 : i32
        %dma_start3A_293 = tpu.memref_slice %arg2[%add3A_280, %dma_start3A_292] : memref<16384x200xi32, #tpu.memory_space<hbm>> -> memref<2x200xi32, #tpu.memory_space<hbm>>
        tpu.enqueue_dma source(%dma_start3A_293 : memref<2x200xi32, #tpu.memory_space<hbm>>) target(%dma_start3A_291 : memref<2x200xi32, #tpu.memory_space<vmem>>) target_semaphore(%arg9 : memref<!tpu.dma_semaphore, #tpu.memory_space<semaphore_mem>>)
      } else {
      }
      %mul3A_256 = arith.constant 2 : i32
      %mul3A_257 = arith.muli %add3A_176, %mul3A_256 : i32
      %add3A_258 = arith.addi %mul3A_2, %mul3A_257 : i32
      %dma_start3A_259 = arith.constant 1 : i32
      %dma_start3A_260 = arith.constant 0 : i32
      %dma_start3A_261 = arith.constant 0 : i32
      %dma_start3A_262 = arith.constant 0 : i32
      %dma_start3A_263 = tpu.memref_slice %arg6[%dma_start3A_259, %dma_start3A_260, %dma_start3A_261, %dma_start3A_262] : memref<2x2x200x64xf32, #tpu.memory_space<vmem>> -> memref<1x2x200x64xf32, #tpu.memory_space<vmem>>
      %dma_start3A_264 = tpu.memref_squeeze %dma_start3A_263 : memref<1x2x200x64xf32, #tpu.memory_space<vmem>> -> memref<2x200x64xf32, #tpu.memory_space<vmem>>
      %dma_start3A_265 = arith.constant 0 : i32
      %dma_start3A_266 = arith.constant 0 : i32
      %dma_start3A_267 = tpu.memref_slice %arg4[%add3A_258, %dma_start3A_265, %dma_start3A_266] : memref<16384x200x64xf32, #tpu.memory_space<hbm>> -> memref<2x200x64xf32, #tpu.memory_space<hbm>>
      %dma_start3A_268 = arith.constant 0 : i32
      %dma_start3A_269 = arith.constant 0 : i32
      %dma_start3A_270 = tpu.memref_slice %arg4[%add3A_258, %dma_start3A_268, %dma_start3A_269] : memref<16384x200x64xf32, #tpu.memory_space<hbm>> -> memref<2x200x64xf32, #tpu.memory_space<hbm>>
      %dma_start3A_271 = arith.constant 0 : i32
      %dma_start3A_272 = arith.constant 0 : i32
      %dma_start3A_273 = arith.constant 0 : i32
      %dma_start3A_274 = tpu.memref_slice %arg6[%dma_start3A_259, %dma_start3A_271, %dma_start3A_272, %dma_start3A_273] : memref<2x2x200x64xf32, #tpu.memory_space<vmem>> -> memref<1x2x200x64xf32, #tpu.memory_space<vmem>>
      %dma_start3A_275 = tpu.memref_squeeze %dma_start3A_274 : memref<1x2x200x64xf32, #tpu.memory_space<vmem>> -> memref<2x200x64xf32, #tpu.memory_space<vmem>>
      tpu.enqueue_dma source(%dma_start3A_275 : memref<2x200x64xf32, #tpu.memory_space<vmem>>) target(%dma_start3A_270 : memref<2x200x64xf32, #tpu.memory_space<hbm>>) target_semaphore(%arg13 : memref<!tpu.dma_semaphore, #tpu.memory_space<semaphore_mem>>)
    }
    %scan3A_37 = arith.constant 128 : i32
    %dma_wait3A = arith.constant 0 : i32
    %dma_wait3A_38 = arith.constant 0 : i32
    %dma_wait3A_39 = arith.constant 0 : i32
    %dma_wait3A_40 = arith.constant 0 : i32
    %dma_wait3A_41 = tpu.memref_slice %arg6[%dma_wait3A, %dma_wait3A_38, %dma_wait3A_39, %dma_wait3A_40] : memref<2x2x200x64xf32, #tpu.memory_space<vmem>> -> memref<1x2x200x64xf32, #tpu.memory_space<vmem>>
    %dma_wait3A_42 = tpu.memref_squeeze %dma_wait3A_41 : memref<1x2x200x64xf32, #tpu.memory_space<vmem>> -> memref<2x200x64xf32, #tpu.memory_space<vmem>>
    %dma_wait3A_43 = arith.constant 0 : i32
    %dma_wait3A_44 = arith.constant 0 : i32
    %dma_wait3A_45 = tpu.memref_slice %arg4[%mul3A_2, %dma_wait3A_43, %dma_wait3A_44] : memref<16384x200x64xf32, #tpu.memory_space<hbm>> -> memref<2x200x64xf32, #tpu.memory_space<hbm>>
    %dma_wait3A_46 = arith.constant 0 : i32
    %dma_wait3A_47 = arith.constant 0 : i32
    %dma_wait3A_48 = tpu.memref_slice %arg4[%mul3A_2, %dma_wait3A_46, %dma_wait3A_47] : memref<16384x200x64xf32, #tpu.memory_space<hbm>> -> memref<2x200x64xf32, #tpu.memory_space<hbm>>
    %dma_wait3A_49 = arith.constant 0 : i32
    %dma_wait3A_50 = arith.constant 0 : i32
    %dma_wait3A_51 = arith.constant 0 : i32
    %dma_wait3A_52 = tpu.memref_slice %arg6[%dma_wait3A, %dma_wait3A_49, %dma_wait3A_50, %dma_wait3A_51] : memref<2x2x200x64xf32, #tpu.memory_space<vmem>> -> memref<1x2x200x64xf32, #tpu.memory_space<vmem>>
    %dma_wait3A_53 = tpu.memref_squeeze %dma_wait3A_52 : memref<1x2x200x64xf32, #tpu.memory_space<vmem>> -> memref<2x200x64xf32, #tpu.memory_space<vmem>>
    tpu.wait_dma2 semaphore(%arg12 : memref<!tpu.dma_semaphore, #tpu.memory_space<semaphore_mem>>) src(%dma_wait3A_53 : memref<2x200x64xf32, #tpu.memory_space<vmem>>) dst(%dma_wait3A_48 : memref<2x200x64xf32, #tpu.memory_space<hbm>>)
    %dma_wait3A_54 = arith.constant 1 : i32
    %dma_wait3A_55 = arith.constant 0 : i32
    %dma_wait3A_56 = arith.constant 0 : i32
    %dma_wait3A_57 = arith.constant 0 : i32
    %dma_wait3A_58 = tpu.memref_slice %arg6[%dma_wait3A_54, %dma_wait3A_55, %dma_wait3A_56, %dma_wait3A_57] : memref<2x2x200x64xf32, #tpu.memory_space<vmem>> -> memref<1x2x200x64xf32, #tpu.memory_space<vmem>>
    %dma_wait3A_59 = tpu.memref_squeeze %dma_wait3A_58 : memref<1x2x200x64xf32, #tpu.memory_space<vmem>> -> memref<2x200x64xf32, #tpu.memory_space<vmem>>
    %dma_wait3A_60 = arith.constant 0 : i32
    %dma_wait3A_61 = arith.constant 0 : i32
    %dma_wait3A_62 = tpu.memref_slice %arg4[%mul3A_2, %dma_wait3A_60, %dma_wait3A_61] : memref<16384x200x64xf32, #tpu.memory_space<hbm>> -> memref<2x200x64xf32, #tpu.memory_space<hbm>>
    %dma_wait3A_63 = arith.constant 0 : i32
    %dma_wait3A_64 = arith.constant 0 : i32
    %dma_wait3A_65 = tpu.memref_slice %arg4[%mul3A_2, %dma_wait3A_63, %dma_wait3A_64] : memref<16384x200x64xf32, #tpu.memory_space<hbm>> -> memref<2x200x64xf32, #tpu.memory_space<hbm>>
    %dma_wait3A_66 = arith.constant 0 : i32
    %dma_wait3A_67 = arith.constant 0 : i32
    %dma_wait3A_68 = arith.constant 0 : i32
    %dma_wait3A_69 = tpu.memref_slice %arg6[%dma_wait3A_54, %dma_wait3A_66, %dma_wait3A_67, %dma_wait3A_68] : memref<2x2x200x64xf32, #tpu.memory_space<vmem>> -> memref<1x2x200x64xf32, #tpu.memory_space<vmem>>
    %dma_wait3A_70 = tpu.memref_squeeze %dma_wait3A_69 : memref<1x2x200x64xf32, #tpu.memory_space<vmem>> -> memref<2x200x64xf32, #tpu.memory_space<vmem>>
    tpu.wait_dma2 semaphore(%arg13 : memref<!tpu.dma_semaphore, #tpu.memory_space<semaphore_mem>>) src(%dma_wait3A_70 : memref<2x200x64xf32, #tpu.memory_space<vmem>>) dst(%dma_wait3A_65 : memref<2x200x64xf32, #tpu.memory_space<hbm>>)
    return
  }
}

</mosaic_0001>

<sc_bundles>
// kernel: _lookup.3.cloned.1.call-start
scs
__scs_entry_jumppad:
0x0: {  	(pc) =	sbr.rel $0x88, $3  }
0x1: {  	(tag) =	ssettag $0x0;
	lr =	simm.s32 $0x1  }
0x2: {  	[smem:$0x3F9F] =	sst lr;
	_ =	strace $0xD0000000  }
0x3: {  	_ = 	snop  }
0x4: {  	_ = 	snop  }
0x5: {  	_ = 	snop  }
0x6: {  	_ = 	snop  }
0x7: {  	_ = 	snop  }
__scs_overlays_trampoline_lowered:
0x8: {  	[smem:$0x3FAE] =	sst s0  }
0x9: {  	[smem:$0x3FAF] =	sst s1  }
0xa: {  	[smem:$0x3FB0] =	sst s2  }
0xb: {  	[smem:$0x3FB1] =	sst s3  }
0xc: {  	[smem:$0x3FB2] =	sst s4  }
0xd: {  	[smem:$0x3FB3] =	sst s5  }
0xe: {  	[smem:$0x3FB4] =	sst s6  }
0xf: {  	[smem:$0x3FB5] =	sst s7  }
0x10: {  	[smem:$0x3FB6] =	sst s8  }
0x11: {  	[smem:$0x3FB7] =	sst s9;
	s0 =	simm.s32 @!p0 $0x0  }
0x12: {  	s1 =	sld [smem:$0x3F9D];
	s0 =	simm.s32 @p0 $0x1  }
0x13: {  	[smem:$0x3FB8] =	sst s0;
	s0 =	simm.s32 @!p1 $0x0  }
0x14: {  	s2 =	sld [smem:$0x3F9C];
	s0 =	simm.s32 @p1 $0x1  }
0x15: {  	[smem:$0x3FB9] =	sst s0;
	s0 =	simm.s32 @!p2 $0x0  }
0x16: {  	s3 =	sld [smem:$0x3FDB];
	s0 =	simm.s32 @p2 $0x1  }
0x17: {  	s4 =	simm.s32 $0x1BF5;
	[smem:$0x3FBB] =	sst s0  }
0x18: {  	s0 =	sld [smem:$0x3F9E];
	_ =	swait.ge [sflag:s4], $0x0  }
0x19: {  	s7 =	sld [smem:$0x3F9F]  }
0x1a: {  	s8 =	sadd.s32 $0xFFFFE003, lr  }
0x1b: {  	s9 =	sadd.s32 $0xFFFFFEF7, lr;
	s5 =	simm.s32 $0xFFFFFFFF;
	p2 =	slt.u32 s8, $0xFFFFF086  }
0x1c: {  	p1 =	slt.u32 s9, $0xF7A;
	s5 =	simm.s32 @!p2 $0x0  }
0x1d: {  	s5 =	simm.s32 @p1 $0x1;
	p0 =	seq.s32 s7, s2  }
0x1e: {  	s7 =	smul.u32 @!p0 $0xF7A, s2;
	p2 =	seq.s32 @!p0 s5, $0x0  }
0x1f: {  	s9 =	smul.u32 $0xF7A, s1;
	s8 =	simm.s32 @!p0 $0x1BF5;
	p2 =	por !p2, p0  }
0x20: {  	[sflag:s8] =	ssyncset.s32 @!p0 $0xFFFFF086;
	s6 =	sadd.s32 @!p0 s3, s7;
	s7 =	simm.s32 @!p0 $0x108  }
0x21: {  	s3 =	sadd.s32 s3, s9;
	s6 =	sadd.s32 @!p0 $0x88, s6;
	s7 =	simm.s32 @p2 $0x1082  }
0x22: {  	[simem:s7], [sflag:s8] =	dma.local @!p0 [hbm:s6], $0xF7A  }
0x23: {  	s9 =	sor.u32 $0xD0000000, s2;
	s6 =	simm.s32 $0x108;
	_ =	swait.ge @!p0 [sflag:s8], $0x0  }
0x24: {  	s3 =	sadd.s32 $0x88, s3;
	s6 =	simm.s32 @!p1 $0x1082;
	[sflag:s4] =	ssyncset.s32 $0xFFFFF086  }
0x25: {  	[simem:s6], [sflag:s4] =	dma.local [hbm:s3], $0xF7A  }
0x26: {  	[smem:$0x3F9F] =	sst s1;
	(tag) =	ssettag s2;
	_ =	strace s9  }
0x27: {  	s1 =	sld [smem:$0x3FAF]  }
0x28: {  	s2 =	sld [smem:$0x3FB0]  }
0x29: {  	s4 =	sld [smem:$0x3FB2]  }
0x2a: {  	p0 =	seq.s32 s5, $0x0;
	s5 =	sld [smem:$0x3FB3]  }
0x2b: {  	s6 =	sld [smem:$0x3FB4]  }
0x2c: {  	s7 =	sld [smem:$0x3FB5]  }
0x2d: {  	s3 =	simm.s32 $0x108;
	s8 =	sld [smem:$0x3FB6]  }
0x2e: {  	s3 =	simm.s32 @!p0 $0x1082;
	s9 =	sld [smem:$0x3FB7]  }
0x2f: {  	lr =	sadd.s32 s0, s3;
	s0 =	sld [smem:$0x3FAE]  }
0x30: {  	s3 =	sld [smem:$0x3FB1]  }
0x31: {  	[smem:$0x3FBA] =	sst s10  }
0x32: {  	s10 =	sld [smem:$0x3FB8];
	_ =	sdelay $0x3  }
0x33: {  	p0 =	seq.s32 s10, $0x1;
	s10 =	sld [smem:$0x3FBA];
	_ =	sdelay $0x3  }
0x34: {  	[smem:$0x3FBA] =	sst s10  }
0x35: {  	s10 =	sld [smem:$0x3FB9];
	_ =	sdelay $0x3  }
0x36: {  	p1 =	seq.s32 s10, $0x1;
	s10 =	sld [smem:$0x3FBA];
	_ =	sdelay $0x3  }
0x37: {  	[smem:$0x3FBA] =	sst s10  }
0x38: {  	s10 =	sld [smem:$0x3FBB]  }
0x39: {  	_ = 	snop;
	(pc) =	sbr.ind lr, $3  }
0x3a: {  	_ = 	snop  }
0x3b: {  	_ = 	snop  }
0x3c: {  	p2 =	seq.s32 s10, $0x1;
	s10 =	sld [smem:$0x3FBA]  }
0x3d: {  	_ =	shalt  }
0x3e: {  	_ =	shalt  }
0x3f: {  	_ =	shalt  }
0x40: {  	_ =	shalt  }
0x41: {  	_ =	shalt  }
0x42: {  	_ =	shalt  }
0x43: {  	_ =	shalt  }
0x44: {  	_ =	shalt  }
0x45: {  	_ =	shalt  }
0x46: {  	_ =	shalt  }
0x47: {  	_ =	shalt  }
0x48: {  	_ =	shalt  }
0x49: {  	_ =	shalt  }
0x4a: {  	_ =	shalt  }
0x4b: {  	_ =	shalt  }
0x4c: {  	_ =	shalt  }
0x4d: {  	_ =	shalt  }
0x4e: {  	_ =	shalt  }
0x4f: {  	_ =	shalt  }
0x50: {  	_ =	shalt  }
0x51: {  	_ =	shalt  }
0x52: {  	_ =	shalt  }
0x53: {  	_ =	shalt  }
0x54: {  	_ =	shalt  }
0x55: {  	_ =	shalt  }
0x56: {  	_ =	shalt  }
0x57: {  	_ =	shalt  }
0x58: {  	_ =	shalt  }
0x59: {  	_ =	shalt  }
0x5a: {  	_ =	shalt  }
0x5b: {  	_ =	shalt  }
0x5c: {  	_ =	shalt  }
0x5d: {  	_ =	shalt  }
0x5e: {  	_ =	shalt  }
0x5f: {  	_ =	shalt  }
0x60: {  	_ =	shalt  }
0x61: {  	_ =	shalt  }
0x62: {  	_ =	shalt  }
0x63: {  	_ =	shalt  }
0x64: {  	_ =	shalt  }
0x65: {  	_ =	shalt  }
0x66: {  	_ =	shalt  }
0x67: {  	_ =	shalt  }
0x68: {  	_ =	shalt  }
0x69: {  	_ =	shalt  }
0x6a: {  	_ =	shalt  }
0x6b: {  	_ =	shalt  }
0x6c: {  	_ =	shalt  }
0x6d: {  	_ =	shalt  }
0x6e: {  	_ =	shalt  }
0x6f: {  	_ =	shalt  }
0x70: {  	_ =	shalt  }
0x71: {  	_ =	shalt  }
0x72: {  	_ =	shalt  }
0x73: {  	_ =	shalt  }
0x74: {  	_ =	shalt  }
0x75: {  	_ =	shalt  }
0x76: {  	_ =	shalt  }
0x77: {  	_ =	shalt  }
0x78: {  	_ =	shalt  }
0x79: {  	_ =	shalt  }
0x7a: {  	_ =	shalt  }
0x7b: {  	_ =	shalt  }
0x7c: {  	_ =	shalt  }
0x7d: {  	_ =	shalt  }
0x7e: {  	_ =	shalt  }
0x7f: {  	_ =	shalt  }
0x80: {  	_ =	shalt  }
0x81: {  	_ =	shalt  }
0x82: {  	_ =	shalt  }
0x83: {  	_ =	shalt  }
0x84: {  	_ =	shalt  }
0x85: {  	_ =	shalt  }
0x86: {  	_ =	shalt  }
0x87: {  	_ =	shalt  }
.Lfunc_end0:
.L_simem_size_0:
called_computation.1_lowered:
.L_overlay_start_0:
0x88: {  	s2 =	sld [smem:$0x3FD9]  }
0x89: {  	s3 =	sld [smem:$0x3FFE];
	_ =	sdelay $0x1  }
0x8a: {  	s1 =	srdreg.scid  }
0x8b: {  	s0 =	sand.u32 $0x1, s1  }
0x8c: {  	s17 =	sshll.u32 s0, $0xA;
	s2 =	sadd.s32 s3, s2  }
0x8d: {  	s2 =	sadd.s32 s2, s17  }
0x8e: {  	[smem:$0x3FC6] =	sst s2  }
0x8f: {  	_ = 	snop  }
0x90: {  	s2 =	sld [smem:$0x3FD0];
	(tm) =	ssettm $0x1  }
0x91: {  	s18 =	sld [smem:$0x3FFB];
	_ =	sdelay $0x3  }
0x92: {  	_ =	strace s18  }
0x93: {  	s3 =	sld [smem:$0x3FFC];
	_ =	sdelay $0x3  }
0x94: {  	_ =	strace s3  }
0x95: {  	s3 =	sld [smem:$0x3FFD];
	_ =	sdelay $0x3  }
0x96: {  	_ =	strace s3  }
0x97: {  	_ =	strace $0x8FFFFFFF  }
0x98: {  	s19 =	sld [smem:$0x3FDB];
	_ =	sdelay $0x1  }
0x99: {  	s4 =	simm.s32 $_scs_section_size  }
0x9a: {  	s5 =	simm.s32 $_size__tile_overlayer_lowered;
	s6 =	simm.s32 $_tile_overlayer_lowered  }
0x9b: {  	s22 =	simm.s32 $0x1BFF;
	s21 =	sshll.u32 s6, $0x1;
	s3 =	sadd.s32 s4, s19  }
0x9c: {  	s7 =	simm.s32 $0x0;
	s20 =	sshll.u32 s5, $0x1;
	s5 =	sadd.s32 s21, s3  }
0x9d: {  	[timem:s7], [sflag:s22] =	dma.local [hbm:s5], s20  }
0x9e: {  	_ =	swait.ge [sflag:s22], s20  }
0x9f: {  	s4 =	ssub.s32 $0x0, s20;
	[sflag:s22] =	ssyncset.done $0x0  }
0xa0: {  	[sflag:s22] =	ssyncadd.s32 s4;
	_ =	sdelay $0x1  }
0xa1: {  	s23 =	simm.s32 $0x1B8B  }
0xa2: {  	_ =	swait.ge [sflag:s23], $0x1  }
0xa3: {  	[sflag:s23] =	ssyncset.done $0x0  }
0xa4: {  	s25 =	simm.s32 $0x1B8E;
	s24 =	sld [smem:$0x3FFE];
	[sflag:s23] =	ssyncadd.s32 $0xFFFFFFFF  }
0xa5: {  	s26 =	simm.s32 $execute0_lowered;
	[smem:$0x3FD2] =	sst s25  }
0xa6: {  	s5 =	sshll.u32 s26, $0x1;
	_ =	strace $0x80000046;
	[dreg:$0x1] =	wrdreg $0xFFFFFFFF  }
0xa7: {  	s28 =	simm.s32 $_size_execute0_lowered;
	s3 =	sadd.s32 s3, s5;
	[dreg:$0x0] =	wrdreg $0x0  }
0xa8: {  	s5 =	sshll.u32 s28, $0x1;
	[dreg:$0x2] =	wrdreg s3  }
0xa9: {  	[dreg:$0x3] =	wrdreg s5  }
0xaa: {  	[dreg:$0x4] =	wrdreg $0xC0  }
0xab: {  	_ =	task [dreg:s7], $0x5FFFF  }
0xac: {  	[dreg:$0x1] =	wrdreg $0xFFFFFFFF  }
0xad: {  	[dreg:$0x0] =	wrdreg $0x60  }
0xae: {  	[dreg:$0x2] =	wrdreg s24  }
0xaf: {  	[dreg:$0x3] =	wrdreg s2  }
0xb0: {  	[dreg:$0x4] =	wrdreg $0xCB200  }
0xb1: {  	[dreg:$0x5] =	wrdreg $0x9  }
0xb2: {  	_ =	task.clear_ibuf [dreg:s7], $0x6FFFF;
	_ =	strace $0x90000046  }
0xb3: {  	s29 =	simm.s32 $0x9;
	_ =	strace $0x80000048  }
0xb4: {  	_ =	swait.ge [sflag:s29], $0x1  }
0xb5: {  	[sflag:s29] =	ssyncadd.s32 $0xFFFFFFFF  }
0xb6: {  	_ =	strace $0x90000048  }
0xb7: {  	_ =	sfence  }
0xb8: {  	s30 =	sld [smem:$0x0];
	_ =	sdelay $0x2  }
0xb9: {  	s31 =	sshll.u32 s1, $0xD;
	s1 =	sshrl.u32 s1, $0x2  }
0xba: {  	s3 =	sand.u32 $0x4000, s31;
	s1 =	sadd.s32 s1, s30  }
0xbb: {  	s0 =	sor.u32 s3, s0;
	s1 =	sshll.u32 s1, $0x11  }
0xbc: {  	s0 =	sor.u32 s1, s0  }
0xbd: {  	s0 =	sadd.s32 $0x8F2B, s0  }
0xbe: {  	[sflag:s0] =	ssyncadd.remote.s32 $0x1  }
0xbf: {  	_ =	sfence.sel $0xFFFF  }
0xc0: {  	[dreg:$0x0] =	wrdreg $0xFFFFFFFF;
	(pc) =	sbr.abs _section_cstart, $3  }
0xc1: {  	[dreg:$0x1] =	wrdreg $0xFFFFFFFF  }
0xc2: {  	_ =	task.clear_ibuf [dreg:s7], $0x2FFFF;
	_ =	strace $0x9FFFFFFF  }
0xc3: {  	(tm) =	ssettm $0x7FFFFFFF  }
tec
execute0_lowered:
.L_overlay_start_1:
0x0: {  	(tag) =	ssettag $0x1  }
0x1: {  	s0 =	rddreg [dreg:$0x0]  }
0x2: {  	s3 =	rddreg [dreg:$0x1]  }
0x3: {  	s1 =	rddreg [dreg:$0x2];
	s4 =	srdreg.scid;
	s2 =	simm.s32 $0x0  }
0x4: {  	s15 =	stileid.u32;
	s18 =	simm.s32 $0xC8;
	s19 =	simm.s32 $0x320  }
0x5: {  	s20 =	simm.s32 $0x3520;
	s21 =	simm.s32 $0x3;
	s22 =	simm.s32 $0x2  }
0x6: {  	s23 =	simm.s32 $0x6720;
	s28 =	simm.s32 $0x5;
	s29 =	simm.s32 $0x6  }
0x7: {  	s30 =	simm.s32 $0x0;
	s12 =	sand.u32 $0x1, s4;
	[smem:$0x7FF] =	sst s2  }
0x8: {  	s24 =	sshll.u32 s15, $0xA;
	s13 =	sadd.s32 $0xC00, s0;
	s31 =	smul.u32 $0x6400, s15  }
0x9: {  	s0 =	sadd.s32 $0x800, s0;
	s14 =	smul.u32 $0x190000, s15;
	p0 =	sne.s32 s15, $0x0  }
0xa: {  	s5 =	sshll.u32 s12, $0x9;
	_ =	strace $0x80000047;
	s16 =	smul.u32 $0xC8000, s12  }
0xb: {  	[dreg:$0x4] =	wrdreg s0;
	s25 =	ssub.s32 $0x2, s12;
	s17 =	smul.u32 $0x3200, s12  }
0xc: {  	s15 =	sshrl.u32 @!p0 s1, $0x3;
	s4 =	sor.u32 s5, s24;
	s26 =	sshrl.u32 s25, $0x1  }
0xd: {  	s24 =	simm.s32 $0x258;
	s5 =	smul.u32 $0x19, s4;
	s6 =	sor.u32 $0x4, s4  }
0xe: {  	s8 =	sor.u32 $0x6, s4;
	s9 =	smul.u32 $0x640, s4;
	s0 =	ssub.s32 s25, s26  }
0xf: {  	s25 =	simm.s32 $0x9920;
	s26 =	simm.s32 $0x4;
	s7 =	smul.u32 $0x19, s6  }
0x10: {  	s10 =	smul.u32 $0x19, s8;
	s6 =	smax.u32 s0, $0x1;
	s0 =	sadd.s32 s31, s13  }
0x11: {  	s4 =	sadd.s32 s13, s5;
	s8 =	sadd.s32 s3, s9;
	s3 =	sadd.s32 s14, s3  }
0x12: {  	s5 =	sadd.s32 $0x32, s4;
	s7 =	sadd.s32 s13, s7;
	s9 =	sadd.s32 s13, s10  }
0x13: {  	s10 =	sadd.s32 $0xC80, s8;
	s11 =	sadd.s32 $0xC6700, s8;
	s12 =	sadd.s32 $0xC7380, s8  }
0x14: {  	s3 =	sadd.s32 s16, s3;
	s13 =	sadd.s32 s17, s0;
	s16 =	simm.s32 $0x190  }
0x15: {  	s17 =	simm.s32 $0x1;
	[dreg:$0x5] =	wrdreg s5;
	s14 =	sadd.s32 $0x1900, s3  }
.LBB2_1:
0x16: {  	s0 =	simm.s32 @!p0 $0x1C07;
	s3 =	rddreg [dreg:$0x4]  }
0x17: {  	[spmem:s15], [sflag:s0] =	dma.local @!p0 [hbm:s3], $0x400  }
0x18: {  	s0 =	simm.s32 @!p0 $0x7  }
0x19: {  	_ =	swait.ge @!p0 [sflag:s0], $0x400  }
0x1a: {  	[sflag:s0] =	ssyncset.done @!p0 $0x0  }
0x1b: {  	[sflag:s0] =	ssyncadd.s32 @!p0 $0xFFFFFC00  }
0x1c: {  	[bflag:$0x0] =	sbarrier.arrive $0xFFFF  }
0x1d: {  	[tilespmem:s2], [sflag:$0x1] =	stream.linear.gather [hbm4b:s4+s2], $0x190, $0x38;
	[tilespmem:$0xCD20] =	vst v63  }
0x1e: {  	s3 =	rddreg [dreg:$0x5]  }
0x1f: {  	[tilespmem:s16], [sflag:$0x2] =	stream.linear.gather [hbm4b:s3+s2], $0x190, $0x38;
	[tilespmem:$0xCD20] =	vst v63  }
0x20: {  	_ =	swait.ge [sflag:s17], $0x190  }
0x21: {  	[sflag:s17] =	ssyncset.done $0x0  }
0x22: {  	[sflag:s17] =	ssyncadd.s32 $0xFFFFFE70  }
0x23: {  	[tilespmem:s19], [sflag:$0x3] =	stream.indirect.gather [spmem:s1], $0x40, s2, s18, $0xb8;
	[tilespmem:$0xCD20] =	vst v63  }
0x24: {  	_ = 	snop  }
0x25: {  	[tilespmem:s20], [sflag:$0x3] =	stream.indirect.gather [spmem:s1], $0x40, s18, s18, $0xb8;
	[tilespmem:$0xCD20] =	vst v63  }
0x26: {  	_ =	swait.ge [sflag:s21], $0x3200  }
0x27: {  	[sflag:s21] =	ssyncset.done $0x0  }
0x28: {  	[sflag:s21] =	ssyncadd.s32 $0xFFFFCE00  }
0x29: {  	_ =	swait.ge [sflag:s21], $0x3200  }
0x2a: {  	[sflag:s21] =	ssyncset.done $0x0  }
0x2b: {  	[sflag:s21] =	ssyncadd.s32 $0xFFFFCE00  }
0x2c: {  	[tilespmem:s2], [sflag:$0x1] =	stream.linear.gather [hbm4b:s7+s2], $0x190, $0x38;
	[tilespmem:$0xCD20] =	vst v63  }
0x2d: {  	_ = 	snop  }
0x2e: {  	[hbm4b:s8+s2] =	stream.linear.scatter [tilespmem:s19], [sflag:$0x5], $0x6400, $0x38;
	[tilespmem:$0xCD20] =	vst v63  }
0x2f: {  	_ =	swait.ge [sflag:s22], $0x190  }
0x30: {  	[sflag:s22] =	ssyncset.done $0x0  }
0x31: {  	[sflag:s22] =	ssyncadd.s32 $0xFFFFFE70  }
0x32: {  	[tilespmem:s23], [sflag:$0x4] =	stream.indirect.gather [spmem:s1], $0x40, s16, s18, $0xb8;
	[tilespmem:$0xCD20] =	vst v63  }
0x33: {  	_ = 	snop  }
0x34: {  	[tilespmem:s25], [sflag:$0x4] =	stream.indirect.gather [spmem:s1], $0x40, s24, s18, $0xb8;
	[tilespmem:$0xCD20] =	vst v63  }
0x35: {  	_ =	swait.ge [sflag:s26], $0x3200  }
0x36: {  	[sflag:s26] =	ssyncset.done $0x0  }
0x37: {  	[sflag:s26] =	ssyncadd.s32 $0xFFFFCE00  }
0x38: {  	_ =	swait.ge [sflag:s26], $0x3200  }
0x39: {  	[sflag:s26] =	ssyncset.done $0x0  }
0x3a: {  	[sflag:s26] =	ssyncadd.s32 $0xFFFFCE00  }
0x3b: {  	[tilespmem:s16], [sflag:$0x2] =	stream.linear.gather [hbm4b:s9+s2], $0x190, $0x38;
	[tilespmem:$0xCD20] =	vst v63  }
0x3c: {  	_ = 	snop  }
0x3d: {  	[hbm4b:s10+s2] =	stream.linear.scatter [tilespmem:s23], [sflag:$0x6], $0x6400, $0x38;
	[tilespmem:$0xCD20] =	vst v63  }
0x3e: {  	_ =	swait.ge [sflag:s17], $0x190  }
0x3f: {  	[sflag:s17] =	ssyncset.done $0x0  }
0x40: {  	[sflag:s17] =	ssyncadd.s32 $0xFFFFFE70  }
0x41: {  	_ =	swait.ge [sflag:s28], $0x6400  }
0x42: {  	[sflag:s28] =	ssyncset.done $0x0  }
0x43: {  	[sflag:s28] =	ssyncadd.s32 $0xFFFF9C00  }
0x44: {  	[tilespmem:s19], [sflag:$0x3] =	stream.indirect.gather [spmem:s1], $0x40, s2, s18, $0xb8;
	[tilespmem:$0xCD20] =	vst v63  }
0x45: {  	_ = 	snop  }
0x46: {  	[tilespmem:s20], [sflag:$0x3] =	stream.indirect.gather [spmem:s1], $0x40, s18, s18, $0xb8;
	[tilespmem:$0xCD20] =	vst v63  }
0x47: {  	_ =	swait.ge [sflag:s21], $0x3200  }
0x48: {  	[sflag:s21] =	ssyncset.done $0x0  }
0x49: {  	[sflag:s21] =	ssyncadd.s32 $0xFFFFCE00  }
0x4a: {  	_ =	swait.ge [sflag:s21], $0x3200  }
0x4b: {  	s0 =	sadd.s32 $0x0, s13;
	[sflag:s21] =	ssyncset.done $0x0  }
0x4c: {  	s5 =	sadd.s32 $0xC8, s0;
	[sflag:s21] =	ssyncadd.s32 $0xFFFFCE00  }
0x4d: {  	[tilespmem:s2], [sflag:$0x1] =	stream.linear.gather [hbm4b:s5+s2], $0x190, $0x38;
	[tilespmem:$0xCD20] =	vst v63  }
0x4e: {  	_ = 	snop  }
0x4f: {  	[hbm4b:s14+s2] =	stream.linear.scatter [tilespmem:s19], [sflag:$0x5], $0x6400, $0x38;
	[tilespmem:$0xCD20] =	vst v63  }
0x50: {  	_ =	swait.ge [sflag:s22], $0x190  }
0x51: {  	[sflag:s22] =	ssyncset.done $0x0  }
0x52: {  	[sflag:s22] =	ssyncadd.s32 $0xFFFFFE70  }
0x53: {  	_ =	swait.ge [sflag:s29], $0x6400  }
0x54: {  	[sflag:s29] =	ssyncset.done $0x0  }
0x55: {  	[sflag:s29] =	ssyncadd.s32 $0xFFFF9C00  }
0x56: {  	[tilespmem:s23], [sflag:$0x4] =	stream.indirect.gather [spmem:s1], $0x40, s16, s18, $0xb8;
	[tilespmem:$0xCD20] =	vst v63  }
0x57: {  	_ = 	snop  }
0x58: {  	[tilespmem:s25], [sflag:$0x4] =	stream.indirect.gather [spmem:s1], $0x40, s24, s18, $0xb8;
	[tilespmem:$0xCD20] =	vst v63  }
0x59: {  	_ =	swait.ge [sflag:s26], $0x3200  }
0x5a: {  	[sflag:s26] =	ssyncset.done $0x0  }
0x5b: {  	[sflag:s26] =	ssyncadd.s32 $0xFFFFCE00  }
0x5c: {  	_ =	swait.ge [sflag:s26], $0x3200  }
0x5d: {  	[sflag:s26] =	ssyncset.done $0x0  }
0x5e: {  	s0 =	sadd.s32 $0xFA, s0;
	[sflag:s26] =	ssyncadd.s32 $0xFFFFCE00  }
0x5f: {  	[tilespmem:s16], [sflag:$0x2] =	stream.linear.gather [hbm4b:s0+s2], $0x190, $0x38;
	[tilespmem:$0xCD20] =	vst v63  }
0x60: {  	s31 =	simm.s32 $0x64;
	s3 =	sadd.s32 $0xC80, s14;
	s0 =	sadd.s32 $0x1900, s14  }
.LBB2_2:
0x61: {  	[hbm4b:s3+s2] =	stream.linear.scatter [tilespmem:s23], [sflag:$0x6], $0x6400, $0x38;
	[tilespmem:$0xCD20] =	vst v63  }
0x62: {  	s3 =	smov.u32 s31  }
0x63: {  	p1 =	sne.s32 s31, $0x30D4;
	s31 =	sadd.s32 $0x64, s31;
	_ =	swait.ge [sflag:s17], $0x190  }
0x64: {  	[sflag:s17] =	ssyncset.done $0x0  }
0x65: {  	[sflag:s17] =	ssyncadd.s32 $0xFFFFFE70  }
0x66: {  	_ =	swait.ge [sflag:s28], $0x6400  }
0x67: {  	[sflag:s28] =	ssyncset.done $0x0  }
0x68: {  	[sflag:s28] =	ssyncadd.s32 $0xFFFF9C00  }
0x69: {  	[tilespmem:s19], [sflag:$0x3] =	stream.indirect.gather [spmem:s1], $0x40, s2, s18, $0xb8;
	[tilespmem:$0xCD20] =	vst v63  }
0x6a: {  	_ = 	snop  }
0x6b: {  	[tilespmem:s20], [sflag:$0x3] =	stream.indirect.gather [spmem:s1], $0x40, s18, s18, $0xb8;
	[tilespmem:$0xCD20] =	vst v63  }
0x6c: {  	_ =	swait.ge [sflag:s21], $0x3200  }
0x6d: {  	[sflag:s21] =	ssyncset.done $0x0  }
0x6e: {  	[sflag:s21] =	ssyncadd.s32 $0xFFFFCE00  }
0x6f: {  	_ =	swait.ge [sflag:s21], $0x3200  }
0x70: {  	s3 =	sadd.s32 s3, s13;
	[sflag:s21] =	ssyncset.done $0x0  }
0x71: {  	s5 =	sadd.s32 $0xC8, s3;
	[sflag:s21] =	ssyncadd.s32 $0xFFFFCE00  }
0x72: {  	[tilespmem:s2], [sflag:$0x1] =	stream.linear.gather [hbm4b:s5+s2], $0x190, $0x38;
	[tilespmem:$0xCD20] =	vst v63  }
0x73: {  	_ = 	snop  }
0x74: {  	[hbm4b:s0+s2] =	stream.linear.scatter [tilespmem:s19], [sflag:$0x5], $0x6400, $0x38;
	[tilespmem:$0xCD20] =	vst v63  }
0x75: {  	_ =	swait.ge [sflag:s22], $0x190  }
0x76: {  	[sflag:s22] =	ssyncset.done $0x0  }
0x77: {  	[sflag:s22] =	ssyncadd.s32 $0xFFFFFE70  }
0x78: {  	_ =	swait.ge [sflag:s29], $0x6400  }
0x79: {  	[sflag:s29] =	ssyncset.done $0x0  }
0x7a: {  	[sflag:s29] =	ssyncadd.s32 $0xFFFF9C00  }
0x7b: {  	[tilespmem:s23], [sflag:$0x4] =	stream.indirect.gather [spmem:s1], $0x40, s16, s18, $0xb8;
	[tilespmem:$0xCD20] =	vst v63  }
0x7c: {  	_ = 	snop  }
0x7d: {  	[tilespmem:s25], [sflag:$0x4] =	stream.indirect.gather [spmem:s1], $0x40, s24, s18, $0xb8;
	[tilespmem:$0xCD20] =	vst v63  }
0x7e: {  	_ =	swait.ge [sflag:s26], $0x3200  }
0x7f: {  	[sflag:s26] =	ssyncset.done $0x0  }
0x80: {  	[sflag:s26] =	ssyncadd.s32 $0xFFFFCE00  }
.Ltmp0:
0x81: {  	_ =	swait.ge [sflag:s26], $0x3200;
	(pc) =	sbr.rel @p1 .LBB2_2-.Ltmp0, $4  }
0x82: {  	[sflag:s26] =	ssyncset.done $0x0  }
0x83: {  	s3 =	sadd.s32 $0xFA, s3;
	[sflag:s26] =	ssyncadd.s32 $0xFFFFCE00  }
0x84: {  	[tilespmem:s16], [sflag:$0x2] =	stream.linear.gather [hbm4b:s3+s2], $0x190, $0x38;
	[tilespmem:$0xCD20] =	vst v63  }
0x85: {  	s3 =	sadd.s32 $0xC80, s0;
	s0 =	sadd.s32 $0x1900, s0  }
0x86: {  	[hbm4b:s3+s2] =	stream.linear.scatter [tilespmem:s23], [sflag:$0x6], $0x6400, $0x38;
	[tilespmem:$0xCD20] =	vst v63  }
0x87: {  	_ =	swait.ge [sflag:s17], $0x190  }
0x88: {  	[sflag:s17] =	ssyncset.done $0x0  }
0x89: {  	[sflag:s17] =	ssyncadd.s32 $0xFFFFFE70  }
0x8a: {  	_ =	swait.ge [sflag:s28], $0x6400  }
0x8b: {  	[sflag:s28] =	ssyncset.done $0x0  }
0x8c: {  	[sflag:s28] =	ssyncadd.s32 $0xFFFF9C00  }
0x8d: {  	[tilespmem:s19], [sflag:$0x3] =	stream.indirect.gather [spmem:s1], $0x40, s2, s18, $0xb8;
	[tilespmem:$0xCD20] =	vst v63  }
0x8e: {  	_ = 	snop  }
0x8f: {  	[tilespmem:s20], [sflag:$0x3] =	stream.indirect.gather [spmem:s1], $0x40, s18, s18, $0xb8;
	[tilespmem:$0xCD20] =	vst v63  }
0x90: {  	_ =	swait.ge [sflag:s21], $0x3200  }
0x91: {  	[sflag:s21] =	ssyncset.done $0x0  }
0x92: {  	[sflag:s21] =	ssyncadd.s32 $0xFFFFCE00  }
0x93: {  	_ =	swait.ge [sflag:s21], $0x3200  }
0x94: {  	[sflag:s21] =	ssyncset.done $0x0  }
0x95: {  	[sflag:s21] =	ssyncadd.s32 $0xFFFFCE00  }
0x96: {  	[hbm4b:s11+s2] =	stream.linear.scatter [tilespmem:s19], [sflag:$0x5], $0x6400, $0x38;
	[tilespmem:$0xCD20] =	vst v63  }
0x97: {  	_ =	swait.ge [sflag:s22], $0x190  }
0x98: {  	[sflag:s22] =	ssyncset.done $0x0  }
0x99: {  	[sflag:s22] =	ssyncadd.s32 $0xFFFFFE70  }
0x9a: {  	_ =	swait.ge [sflag:s29], $0x6400  }
0x9b: {  	[sflag:s29] =	ssyncset.done $0x0  }
0x9c: {  	[sflag:s29] =	ssyncadd.s32 $0xFFFF9C00  }
0x9d: {  	[tilespmem:s23], [sflag:$0x4] =	stream.indirect.gather [spmem:s1], $0x40, s16, s18, $0xb8;
	[tilespmem:$0xCD20] =	vst v63  }
0x9e: {  	_ = 	snop  }
0x9f: {  	[tilespmem:s25], [sflag:$0x4] =	stream.indirect.gather [spmem:s1], $0x40, s24, s18, $0xb8;
	[tilespmem:$0xCD20] =	vst v63  }
0xa0: {  	_ =	swait.ge [sflag:s26], $0x3200  }
0xa1: {  	[sflag:s26] =	ssyncset.done $0x0  }
0xa2: {  	[sflag:s26] =	ssyncadd.s32 $0xFFFFCE00  }
0xa3: {  	_ =	swait.ge [sflag:s26], $0x3200  }
0xa4: {  	[sflag:s26] =	ssyncset.done $0x0  }
0xa5: {  	s30 =	sadd.s32 $0x1, s30;
	[sflag:s26] =	ssyncadd.s32 $0xFFFFCE00  }
0xa6: {  	[hbm4b:s12+s2] =	stream.linear.scatter [tilespmem:s23], [sflag:$0x6], $0x6400, $0x38;
	[tilespmem:$0xCD20] =	vst v63  }
0xa7: {  	p1 =	sne.s32 s30, s6;
	_ =	swait.ge [sflag:s28], $0x6400  }
.Ltmp1:
0xa8: {  	[sflag:s28] =	ssyncset.done $0x0;
	(pc) =	sbr.rel @p1 .LBB2_1-.Ltmp1, $4  }
0xa9: {  	[sflag:s28] =	ssyncadd.s32 $0xFFFF9C00  }
0xaa: {  	_ =	swait.ge [sflag:s29], $0x6400  }
0xab: {  	[sflag:s29] =	ssyncset.done $0x0  }
0xac: {  	[sflag:s29] =	ssyncadd.s32 $0xFFFF9C00  }
0xad: {  	_ =	sfence.sel $0x180000  }
0xae: {  	[bflag:$0x0] =	sbarrier.arrive $0xFFFF  }
0xaf: {  	_ =	strace $0x90000047  }
0xb0: {  	[bflag:$0x2] =	sbarrier.arrive $0xFFFF  }
0xb1: {  	s0 =	rddreg [dreg:$0x3]  }
0xb2: {  	s0 =	sadd.s32 @!p0 $0x100000, s0  }
0xb3: {  	[sflag:s0] =	ssyncadd.tile.s32 @!p0 $0x1;
	_ =	shalt  }
.Lfunc_end2:
_tile_overlayer_lowered:
.L_overlay_start_2:
0xb4: {  	(tag) =	ssettag $0x2  }
0xb5: {  	s0 =	rddreg [dreg:$0x0];
	s2 =	stileid.u32  }
0xb6: {  	s1 =	rddreg [dreg:$0x1];
	p0 =	sne.s32 s2, $0x0  }
0xb7: {  	s3 =	rddreg [dreg:$0x2];
	[bflag:$0x3] =	sbarrier.arrive $0xFFFF;
	s2 =	simm.s32 @!p0 $0x1C07  }
0xb8: {  	[timem:s3], [sflag:s2] =	dma.local @!p0 [hbm:s0], s1  }
0xb9: {  	s0 =	simm.s32 @!p0 $0x7  }
0xba: {  	_ =	swait.ge @!p0 [sflag:s0], s1  }
0xbb: {  	s1 =	ssub.s32 @!p0 $0x0, s1;
	[sflag:s0] =	ssyncset.done @!p0 $0x0  }
0xbc: {  	[sflag:s0] =	ssyncadd.s32 @!p0 s1  }
0xbd: {  	[bflag:$0x3] =	sbarrier.arrive $0xFFFF  }
0xbe: {  	_ =	shalt  }

// kernel: sparse-core-data-format-call.cloned.1.call-start
scs
called_computation_lowered:
.L_overlay_start_0:
0x0: {  	s2 =	sld [smem:$0x3FD9]  }
0x1: {  	s3 =	sld [smem:$0x3FFE];
	_ =	sdelay $0x1  }
0x2: {  	s1 =	srdreg.scid  }
0x3: {  	s0 =	sand.u32 $0x1, s1  }
0x4: {  	s18 =	sshll.u32 s0, $0xA;
	s2 =	sadd.s32 s3, s2  }
0x5: {  	s2 =	sadd.s32 s2, s18  }
0x6: {  	[smem:$0x3FC6] =	sst s2  }
0x7: {  	_ = 	snop  }
0x8: {  	s2 =	sld [smem:$0x3FD0];
	(tm) =	ssettm $0x1  }
0x9: {  	s19 =	sld [smem:$0x3FFB];
	_ =	sdelay $0x3  }
0xa: {  	_ =	strace s19  }
0xb: {  	s3 =	sld [smem:$0x3FFC];
	_ =	sdelay $0x3  }
0xc: {  	_ =	strace s3  }
0xd: {  	s3 =	sld [smem:$0x3FFD];
	_ =	sdelay $0x3  }
0xe: {  	_ =	strace s3  }
0xf: {  	_ =	strace $0x8FFFFFFF  }
0x10: {  	s20 =	sld [smem:$0x3FDB];
	_ =	sdelay $0x1  }
0x11: {  	s4 =	simm.s32 $_scs_section_size  }
0x12: {  	s5 =	simm.s32 $_size__tile_overlayer_lowered;
	s6 =	simm.s32 $_tile_overlayer_lowered  }
0x13: {  	s23 =	simm.s32 $0x1BFF;
	s22 =	sshll.u32 s6, $0x1;
	s3 =	sadd.s32 s4, s20  }
0x14: {  	s7 =	simm.s32 $0x0;
	s21 =	sshll.u32 s5, $0x1;
	s5 =	sadd.s32 s22, s3  }
0x15: {  	[timem:s7], [sflag:s23] =	dma.local [hbm:s5], s21  }
0x16: {  	_ =	swait.ge [sflag:s23], s21  }
0x17: {  	s4 =	ssub.s32 $0x0, s21;
	[sflag:s23] =	ssyncset.done $0x0  }
0x18: {  	[sflag:s23] =	ssyncadd.s32 s4;
	_ =	sdelay $0x1  }
0x19: {  	s24 =	simm.s32 $0x1B8B  }
0x1a: {  	_ =	swait.ge [sflag:s24], $0x1  }
0x1b: {  	[sflag:s24] =	ssyncset.done $0x0  }
0x1c: {  	s26 =	simm.s32 $0x1B8E;
	s25 =	sld [smem:$0x3FFE];
	[sflag:s24] =	ssyncadd.s32 $0xFFFFFFFF  }
0x1d: {  	s27 =	simm.s32 $execute0_lowered;
	[smem:$0x3FD2] =	sst s26  }
0x1e: {  	s5 =	sshll.u32 s27, $0x1;
	_ =	strace $0x80000049;
	[dreg:$0x1] =	wrdreg $0xFFFFFFFF  }
0x1f: {  	s28 =	simm.s32 $_size_execute0_lowered;
	s3 =	sadd.s32 s3, s5;
	[dreg:$0x0] =	wrdreg $0x0  }
0x20: {  	s5 =	sshll.u32 s28, $0x1;
	[dreg:$0x2] =	wrdreg s3  }
0x21: {  	[dreg:$0x3] =	wrdreg s5  }
0x22: {  	[dreg:$0x4] =	wrdreg $0xC0  }
0x23: {  	_ =	task [dreg:s7], $0x5FFFF  }
0x24: {  	[dreg:$0x1] =	wrdreg $0xFFFFFFFF  }
0x25: {  	[dreg:$0x0] =	wrdreg $0x60  }
0x26: {  	[dreg:$0x2] =	wrdreg s25  }
0x27: {  	[dreg:$0x3] =	wrdreg s2  }
0x28: {  	[dreg:$0x4] =	wrdreg $0x9  }
0x29: {  	_ =	task.clear_ibuf [dreg:s7], $0x5FFFF;
	_ =	strace $0x90000049  }
0x2a: {  	s29 =	simm.s32 $0x9;
	_ =	strace $0x8000004B  }
0x2b: {  	_ =	swait.ge [sflag:s29], $0x1  }
0x2c: {  	[sflag:s29] =	ssyncadd.s32 $0xFFFFFFFF  }
0x2d: {  	_ =	strace $0x9000004B  }
0x2e: {  	_ =	sfence  }
0x2f: {  	s30 =	sld [smem:$0x0];
	_ =	sdelay $0x2  }
0x30: {  	s31 =	sshll.u32 s1, $0xD;
	s1 =	sshrl.u32 s1, $0x2  }
0x31: {  	s3 =	sand.u32 $0x4000, s31;
	s1 =	sadd.s32 s1, s30  }
0x32: {  	s0 =	sor.u32 s3, s0;
	s1 =	sshll.u32 s1, $0x11  }
0x33: {  	s0 =	sor.u32 s1, s0  }
0x34: {  	s0 =	sadd.s32 $0x8F2B, s0  }
0x35: {  	[sflag:s0] =	ssyncadd.remote.s32 $0x1  }
0x36: {  	_ =	sfence.sel $0xFFFF  }
0x37: {  	[dreg:$0x0] =	wrdreg $0xFFFFFFFF;
	(pc) =	sbr.abs _section_cstart, $3  }
0x38: {  	[dreg:$0x1] =	wrdreg $0xFFFFFFFF  }
0x39: {  	_ =	task.clear_ibuf [dreg:s7], $0x2FFFF;
	_ =	strace $0x9FFFFFFF  }
0x3a: {  	(tm) =	ssettm $0x7FFFFFFF  }
0x3b: {  	_ =	shalt  }
tec
execute0_lowered:
.L_overlay_start_1:
0x0: {  	(tag) =	ssettag $0x1  }
0x1: {  	s0 =	srdreg.scid  }
0x2: {  	s1 =	sshll.u32 s0, $0x4  }
0x3: {  	s0 =	stileid.u32;
	s1 =	sand.u32 $0x10, s1  }
0x4: {  	s1 =	sor.u32 s0, s1  }
0x5: {  	s6 =	rddreg [dreg:$0x0];
	s4 =	simm.s32 $0x1;
	s2 =	sshll.u32 s1, $0x7  }
0x6: {  	s7 =	simm.s32 $0x2;
	s12 =	simm.s32 $0x0;
	s1 =	ssub.s32 $0x4000, s2  }
0x7: {  	s8 =	simm.s32 $0x20000;
	s13 =	simm.s32 $0x0;
	s3 =	sand.u32 $0xF80, s1  }
0x8: {  	s9 =	simm.s32 $0x0;
	s5 =	sshrl.u32 s1, $0xC;
	p0 =	sne.s32 s3, $0x0  }
.Ltmp0:
0x9: {  	s1 =	rddreg [dreg:$0x2];
	s4 =	simm.s32 @!p0 $0x0;
	(pc) =	sbr.rel .LBB1_1-.Ltmp0, $4  }
0xa: {  	s11 =	simm.s32 $0x0;
	s3 =	rddreg [dreg:$0x1];
	s5 =	sadd.s32 s4, s5  }
0xb: {  	_ =	strace $0x8000004A;
	s4 =	simm.s32 $0x1;
	s5 =	smul.u32 $0xC8, s5  }
0xc: {  	s6 =	sadd.s32 $0x800, s6;
	s10 =	smov.u32 s2;
	[sflag:s4] =	ssyncpa.u1 $0x0  }
0xd: {  	p0 =	por $0x0, $0x0;
	[sflag:s7] =	ssyncpa.u1 $0x0;
	s7 =	sor.u32 $0x1, s5  }
.LBB1_4:
0xe: {  	s16 =	sshll.u32 s13, $0x3;
	s17 =	sand.u32 $0x78, s13  }
0xf: {  	s30 =	sand.u32 $0x1F800, s13;
	s12 =	sshll.u32 s12, $0x11;
	s16 =	sand.u32 $0x3C00, s16  }
0x10: {  	[tilespmem:s15+$0x810 ss:$0x81] =	vst.msk $0xffff, v2;
	s31 =	sand.u32 $0x7, s13;
	s16 =	sor.u32 s17, s16;
	s17 =	sadd.s32 s3, s30  }
0x11: {  	[tilespmem:s15+$0x1020 ss:$0x81] =	vst.msk $0xffff, v0;
	s13 =	sshll.u32 s31, $0x12;
	s12 =	sadd.s32 s12, s17;
	s16 =	sshrl.u32 s16, $0x3  }
0x12: {  	[tilespmem:s15+$0x0 ss:$0x81] =	vst.msk $0xffff, v1;
	s13 =	sor.u32 $0x400, s13;
	s12 =	sadd.s32 s16, s12  }
0x13: {  	[hbm4b:s12+s13] =	stream.strided.scatter [tilespmem:s14], [sflag:$0x2], $0x2000, s8, s13, $0x20;
	[tilespmem:$0x8080] =	vst v63  }
.LBB1_5:
0x14: {  	s14 =	sadd.s32 $0x1, s9  }
0x15: {  	s12 =	sadd.s32 $0x1000, s10;
	s16 =	smov.u32 s10;
	p2 =	sgt.s32 s14, $0xC7  }
0x16: {  	s16 =	smov.u32 @p2 s12  }
0x17: {  	s14 =	simm.s32 @p2 $0x0;
	p2 =	sgt.s32 s16, $0x3FFF  }
0x18: {  	s16 =	smov.u32 @p2 s2;
	p2 =	sne.s32 s11, s7  }
.Ltmp1:
0x19: {  	p1 =	slt.u32 s11, $0x2;
	(pc) =	sbr.rel @!p2 .LBB1_6-.Ltmp1, $4  }
0x1a: {  	s15 =	simm.s32 @!p1 $0x2  }
0x1b: {  	s13 =	smov.u32 s10;
	p0 =	por !p0, !p0;
	_ =	swait.ge @!p1 [sflag:s15], $0x2000  }
0x1c: {  	s12 =	smov.u32 s9;
	[sflag:s15] =	ssyncset.done @!p1 $0x0;
	s9 =	smov.u32 s14  }
0x1d: {  	s11 =	sadd.s32 $0x1, s11;
	[sflag:s15] =	ssyncadd.s32 @!p1 $0xFFFFE000;
	s10 =	smov.u32 s16  }
.LBB1_1:
0x1e: {  	p1 =	sge.u32 s11, s5  }
0x1f: {  	s14 =	sand.u32 @!p1 $0x1FFFFFF, s9  }
0x20: {  	s15 =	smulhi.u32 @!p1 $0x147AE15, s14;
	_ =	sdelay $0x1  }
0x21: {  	s15 =	smul.u32 @!p1 $0xC8, s15  }
0x22: {  	s16 =	sxor.u32 @!p1 $0xFFFFFFFF, s11;
	s17 =	smul.u32 @!p1 $0xC80, s10  }
0x23: {  	s31 =	sadd.s32 $0xFFFFFFFF, s11;
	s16 =	sshll.u32 @!p1 s16, $0xD;
	s14 =	ssub.s32 @!p1 s14, s15  }
0x24: {  	s15 =	sand.u32 @!p1 $0x2000, s16;
	s16 =	sadd.s32 @!p1 s6, s17;
	s14 =	sshll.u32 @!p1 s14, $0x4  }
0x25: {  	s17 =	simm.s32 @!p1 $0x6400;
	s14 =	sadd.s32 @!p1 s14, s16;
	s16 =	simm.s32 @!p1 $0x40  }
0x26: {  	[tilespmem:s15], [sflag:$0x1] =	stream.strided.gather @!p1 [hbm4b:s14+s16], $0x2000, s17, s16, $0x38;
	[tilespmem:$0x8080] =	vst v63  }
0x27: {  	p1 =	sge.u32 s31, s5  }
.Ltmp2:
0x28: {  	_ = 	snop;
	(pc) =	sbr.rel @p1 .LBB1_5-.Ltmp2, $1  }
0x29: {  	_ =	sdelay $0x3  }
0x2a: {  	s14 =	simm.s32 $0x1  }
0x2b: {  	_ =	swait.ge [sflag:s4], $0x2000;
	s14 =	simm.s32 @!p0 $0x0  }
0x2c: {  	[sflag:s4] =	ssyncset.done $0x0;
	s15 =	sshll.u32 s14, $0xD  }
0x2d: {  	[sflag:s4] =	ssyncadd.s32 $0xFFFFE000;
	s18 =	sor.u32 $0x20, s15  }
0x2e: {  	s14 =	smul.u32 $0x8100, s14;
	v3 =	vld [tilespmem:s18+$0x10]  }
0x2f: {  	s30 =	sand.u32 $0x1, s11;
	v2 =	vld [tilespmem:s18+$0xFFFFFFF0]  }
0x30: {  	s15 =	smul.u32 $0x8100, s30;
	s14 =	sshrl.u32 s14, $0x2;
	v0 =	vld [tilespmem:s18+$0x0]  }
0x31: {  	v1 =	vld [tilespmem:s18+$0xFFFFFFE0];
	s16 =	sor.u32 $0x4000, s14  }
0x32: {  	s31 =	sshrl.u32 s15, $0x2;
	s15 =	sadd.s32 $0x0, s16  }
0x33: {  	s17 =	simm.s32 $0x4;
	s18 =	sadd.s32 $0x40, s18;
	s14 =	sor.u32 $0x4000, s31;
	[tilespmem:s15+$0x1830 ss:$0x81] =	vst.msk $0xffff, v3  }
.LBB1_3:
0x34: {  	v3 =	vld [tilespmem:s18+$0x10];
	p1 =	sne.s32 s17, $0x1FC;
	[tilespmem:s15+$0x810 ss:$0x81] =	vst.msk $0xffff, v2;
	s19 =	smov.u32 s17;
	s17 =	sadd.s32 $0x4, s17  }
.Ltmp3:
0x35: {  	v2 =	vld [tilespmem:s18+$0xFFFFFFF0];
	[tilespmem:s15+$0x1020 ss:$0x81] =	vst.msk $0xffff, v0;
	(pc) =	sbr.rel @p1 .LBB1_3-.Ltmp3, $4  }
0x36: {  	v0 =	vld [tilespmem:s18+$0x0];
	[tilespmem:s15+$0x0 ss:$0x81] =	vst.msk $0xffff, v1  }
0x37: {  	s15 =	sshra.s32 s19, $0x2;
	v1 =	vld [tilespmem:s18+$0xFFFFFFE0]  }
0x38: {  	s15 =	sadd.s32 s15, s16  }
0x39: {  	s18 =	sadd.s32 $0x40, s18;
	[tilespmem:s15+$0x1830 ss:$0x81] =	vst.msk $0xffff, v3  }
.Ltmp4:
0x3a: {  	_ = 	snop;
	(pc) =	sbr.rel .LBB1_4-.Ltmp4, $1  }
0x3b: {  	_ =	sdelay $0x3  }
.LBB1_6:
0x3c: {  	_ =	sfence.sel $0x180000  }
0x3d: {  	s2 =	simm.s32 $0x1;
	[bflag:$0x0] =	sbarrier.arrive $0xFFFF  }
0x3e: {  	s31 =	simm.s32 $0x2;
	[sflag:s2] =	ssyncpa.u1 $0x1  }
0x3f: {  	[sflag:s31] =	ssyncpa.u1 $0x1  }
0x40: {  	p0 =	sne.s32 s0, $0x0;
	_ =	strace $0x9000004A  }
0x41: {  	s0 =	sadd.s32 @!p0 $0x100000, s1;
	[bflag:$0x2] =	sbarrier.arrive $0xFFFF  }
0x42: {  	[sflag:s0] =	ssyncadd.tile.s32 @!p0 $0x1;
	_ =	shalt  }
.Lfunc_end1:
_tile_overlayer_lowered:
.L_overlay_start_2:
0x43: {  	(tag) =	ssettag $0x2  }
0x44: {  	s0 =	rddreg [dreg:$0x0];
	s2 =	stileid.u32  }
0x45: {  	s1 =	rddreg [dreg:$0x1];
	p0 =	sne.s32 s2, $0x0  }
0x46: {  	s3 =	rddreg [dreg:$0x2];
	[bflag:$0x3] =	sbarrier.arrive $0xFFFF;
	s2 =	simm.s32 @!p0 $0x1C01  }
0x47: {  	[timem:s3], [sflag:s2] =	dma.local @!p0 [hbm:s0], s1  }
0x48: {  	s0 =	simm.s32 @!p0 $0x1  }
0x49: {  	_ =	swait.ge @!p0 [sflag:s0], s1  }
0x4a: {  	s1 =	ssub.s32 @!p0 $0x0, s1;
	[sflag:s0] =	ssyncset.done @!p0 $0x0  }
0x4b: {  	[sflag:s0] =	ssyncadd.s32 @!p0 s1  }
0x4c: {  	[bflag:$0x3] =	sbarrier.arrive $0xFFFF  }
0x4d: {  	_ =	shalt  }

</sc_bundles>
